<compile_context>
chip_gen: v7x
topology: tpu7x:2x2x1
jax: 0.10.2.dev20260603
libtpu: 0.0.44.dev20260713+nightly
codegen_flags: <defaults>
</compile_context>

<pallas_src>
import functools

import jax
import jax.numpy as jnp
from jax import lax
from jax.experimental import pallas as pl
from jax.experimental.pallas import tpu as pltpu
from jax.experimental.pallas import tpu_sc as plsc

_NC = 2
_NS = 16
_NW = _NC * _NS
_NA = 6
_NB = 6
_LOOKAHEAD = 5


@functools.partial(jax.jit, static_argnames=("b", "tp"))
def _gather_sc(idx_flat, table_3, b, tp):
    ng = tp // 8
    b_per_w = b // _NW
    n_units = b_per_w * ng
    dp = 8 * 128
    mesh = plsc.VectorSubcoreMesh(core_axis_name="c", subcore_axis_name="s")

    @functools.partial(
        pl.kernel,
        out_type=jax.ShapeDtypeStruct((b, tp, dp), jnp.float32),
        mesh=mesh,
        scratch_types=[
            pltpu.VMEM((b_per_w * tp,), jnp.int32),
            pltpu.VMEM((_NA, 8, 8, 128), jnp.float32),
            pltpu.VMEM((_NB, 8, dp), jnp.float32),
            pltpu.SemaphoreType.DMA,
            pltpu.SemaphoreType.DMA,
        ],
    )
    def k(idx_hbm, table_hbm, out_hbm, idx_v, abuf, bbuf, gsem, wsem):
        wid = lax.axis_index("s") * _NC + lax.axis_index("c")
        ibase = wid * b_per_w * tp
        bbase = wid * b_per_w
        pltpu.sync_copy(idx_hbm.at[pl.ds(ibase, b_per_w * tp)], idx_v)

        def start_gather(u):
            pltpu.make_async_copy(
                table_hbm.at[idx_v.at[pl.ds(u * 8, 8)]],
                abuf.at[lax.rem(u, _NA)],
                gsem,
            ).start()

        for u in range(_LOOKAHEAD):
            start_gather(u)

        @pl.loop(0, n_units)
        def _unit(u):
            ga = lax.rem(u, _NA)
            gb = lax.rem(u, _NB)
            @pl.when(u >= _NB)
            def _():
                pltpu.make_async_copy(bbuf.at[gb], out_hbm.at[0, pl.ds(0, 8)], wsem).wait()
            pltpu.make_async_copy(
                table_hbm.at[idx_v.at[pl.ds(u * 8, 8)]], abuf.at[ga], gsem
            ).wait()
            @plsc.parallel_loop(0, 8, unroll=2)
            def _row(r):
                for j in range(8):
                    vals = [
                        abuf[ga, r, j, pl.ds(kk * 16, 16)] for kk in range(8)
                    ]
                    for kk in range(8):
                        bbuf[gb, r, pl.ds(j * 128 + kk * 16, 16)] = vals[kk]
            bj = lax.div(u, ng)
            gi = lax.rem(u, ng)
            pltpu.make_async_copy(
                bbuf.at[gb],
                out_hbm.at[bbase + bj, pl.ds(gi * 8, 8)],
                wsem,
            ).start()
            @pl.when(u + _LOOKAHEAD < n_units)
            def _():
                start_gather(u + _LOOKAHEAD)

        @pl.loop(0, min(_NB, n_units))
        def _drain(u):
            pltpu.make_async_copy(
                bbuf.at[0], out_hbm.at[0, pl.ds(0, 8)], wsem
            ).wait()

    return k(idx_flat, table_3)


def kernel(idx, table):
    b, t = idx.shape
    v, d = table.shape
    tpad = (t + 7) // 8 * 8
    dpad = (d + 127) // 128 * 128
    idx_p = jnp.pad(idx.astype(jnp.int32), ((0, 0), (0, tpad - t)), mode="wrap")
    table_3 = jnp.pad(table, ((0, 0), (0, dpad - d))).reshape(v, 8, 128)
    out = _gather_sc(idx_p.reshape(-1), table_3, b, tpad)
    return out[:, :t, :d]

# --- scband reference (transcript-rebuilt; emitter-appended) ---
"""Pipeline reference for scband-bigram-language-model-23330262352178 (READ-ONLY COPY).

The authoritative reference and input builder live on the scoring server;
editing this copy changes nothing except your own understanding.
"""

import jax, jax.numpy as jnp
import numpy as np

VOCAB = 1000
B = 1024
T = 50

def setup_inputs(seed: int = 0) -> dict:
    key = jax.random.key(seed)
    k1, k2 = jax.random.split(key)
    idx = jax.random.randint(k1, (B, T), 0, VOCAB)
    # learned parameter: token embedding table (vocab_size x vocab_size)
    table = jax.random.normal(k2, (VOCAB, VOCAB), dtype=jnp.float32) * 0.02
    return {"idx": idx, "table": table}

def reference(idx, table):
    # BigramLanguageModel.forward with targets=None:
    # logits = token_embedding_table(idx); loss = None
    logits = jnp.take(table, idx, axis=0)  # [B, T, vocab]
    return logits

if __name__ == "__main__":
    import jax
    _d = setup_inputs()
    print(jax.jit(kernel)(*tuple(_d.values())))

</pallas_src>

<mosaic_0001>
#map = affine_map<(d0, d1) -> (0)>
#map1 = affine_map<(d0, d1) -> (0, 0, 0)>
module attributes {stable_mosaic.version = 14 : i64} {
  func.func @k(%arg0: i32, %arg1: i32, %arg2: memref<57344xi32, #tpu.memory_space<hbm>>, %arg3: memref<1000x8x128xf32, #tpu.memory_space<hbm>>, %arg4: memref<1024x56x1024xf32, #tpu.memory_space<hbm>>, %arg5: memref<1792xi32, #tpu.memory_space<vmem>>, %arg6: memref<6x8x8x128xf32, #tpu.memory_space<vmem>>, %arg7: memref<6x8x1024xf32, #tpu.memory_space<vmem>>, %arg8: memref<!tpu.dma_semaphore, #tpu.memory_space<semaphore_mem>>, %arg9: memref<!tpu.dma_semaphore, #tpu.memory_space<semaphore_mem>>) attributes {dimension_semantics = [#tpu.dimension_semantics<core_parallel>, #tpu.dimension_semantics<subcore_parallel>], iteration_bounds = array<i64: 2, 16>, scalar_prefetch = 0 : i64, scratch_operands = 5 : i64, tpu.core_type = #tpu.core_type<sc_vector_subcore>, window_params = [{transform_indices = #map}, {transform_indices = #map1}, {transform_indices = #map1}]} {
    %mul3A = arith.constant 2 : i32
    %mul3A_0 = arith.muli %arg1, %mul3A : i32
    %add3A = arith.addi %mul3A_0, %arg0 : i32
    %mul3A_1 = arith.constant 32 : i32
    %mul3A_2 = arith.muli %add3A, %mul3A_1 : i32
    %mul3A_3 = arith.constant 56 : i32
    %mul3A_4 = arith.muli %mul3A_2, %mul3A_3 : i32
    %mul3A_5 = arith.constant 32 : i32
    %mul3A_6 = arith.muli %add3A, %mul3A_5 : i32
    "tpu.region"() ({
      %run_scoped3A = tpu.sem_alloc : memref<!tpu.dma_semaphore, #tpu.memory_space<semaphore_mem>>
      %dma_start3A_84 = tpu.memref_slice %arg2[%mul3A_4] : memref<57344xi32, #tpu.memory_space<hbm>> -> memref<1792xi32, #tpu.memory_space<hbm>>
      %dma_start3A_85 = tpu.memref_slice %arg2[%mul3A_4] : memref<57344xi32, #tpu.memory_space<hbm>> -> memref<1792xi32, #tpu.memory_space<hbm>>
      tpu.enqueue_dma source(%dma_start3A_85 : memref<1792xi32, #tpu.memory_space<hbm>>) target(%arg5 : memref<1792xi32, #tpu.memory_space<vmem>>) target_semaphore(%run_scoped3A : memref<!tpu.dma_semaphore, #tpu.memory_space<semaphore_mem>>)
      %dma_wait3A = tpu.memref_slice %arg2[%mul3A_4] : memref<57344xi32, #tpu.memory_space<hbm>> -> memref<1792xi32, #tpu.memory_space<hbm>>
      %dma_wait3A_86 = tpu.memref_slice %arg2[%mul3A_4] : memref<57344xi32, #tpu.memory_space<hbm>> -> memref<1792xi32, #tpu.memory_space<hbm>>
      tpu.wait_dma2 semaphore(%run_scoped3A : memref<!tpu.dma_semaphore, #tpu.memory_space<semaphore_mem>>) src(%dma_wait3A_86 : memref<1792xi32, #tpu.memory_space<hbm>>) dst(%arg5 : memref<1792xi32, #tpu.memory_space<vmem>>)
      tpu.yield
    }) : () -> ()
    %rem3A = arith.constant 0 : i32
    %rem3A_7 = arith.constant 6 : i32
    %rem3A_8 = arith.remsi %rem3A, %rem3A_7 : i32
    %dma_start3A = arith.constant 0 : i32
    %dma_start3A_9 = arith.constant 0 : i32
    %dma_start3A_10 = arith.constant 0 : i32
    %dma_start3A_11 = tpu.memref_slice %arg6[%rem3A_8, %dma_start3A, %dma_start3A_9, %dma_start3A_10] : memref<6x8x8x128xf32, #tpu.memory_space<vmem>> -> memref<1x8x8x128xf32, #tpu.memory_space<vmem>>
    %dma_start3A_12 = tpu.memref_squeeze %dma_start3A_11 : memref<1x8x8x128xf32, #tpu.memory_space<vmem>> -> memref<8x8x128xf32, #tpu.memory_space<vmem>>
    %dma_start3A_13 = arith.constant 0 : i32
    %dma_start3A_14 = tpu.memref_slice %arg5[%dma_start3A_13] : memref<1792xi32, #tpu.memory_space<vmem>> -> memref<8xi32, #tpu.memory_space<vmem>>
    %dma_start3A_15 = arith.constant 0 : i32
    %dma_start3A_16 = arith.constant 0 : i32
    %dma_start3A_17 = arith.constant 0 : i32
    %dma_start3A_18 = tpu.memref_slice %arg3[%dma_start3A_15, %dma_start3A_16, %dma_start3A_17] : memref<1000x8x128xf32, #tpu.memory_space<hbm>> -> memref<1000x8x128xf32, #tpu.memory_space<hbm>>
    tpu.enqueue_indirect_dma source(%dma_start3A_18 : memref<1000x8x128xf32, #tpu.memory_space<hbm>>) target(%dma_start3A_12 : memref<8x8x128xf32, #tpu.memory_space<vmem>>) offsets(%dma_start3A_14 : memref<8xi32, #tpu.memory_space<vmem>>) semaphore(%arg8 : memref<!tpu.dma_semaphore, #tpu.memory_space<semaphore_mem>>)
    %rem3A_19 = arith.constant 1 : i32
    %rem3A_20 = arith.constant 6 : i32
    %rem3A_21 = arith.remsi %rem3A_19, %rem3A_20 : i32
    %dma_start3A_22 = arith.constant 0 : i32
    %dma_start3A_23 = arith.constant 0 : i32
    %dma_start3A_24 = arith.constant 0 : i32
    %dma_start3A_25 = tpu.memref_slice %arg6[%rem3A_21, %dma_start3A_22, %dma_start3A_23, %dma_start3A_24] : memref<6x8x8x128xf32, #tpu.memory_space<vmem>> -> memref<1x8x8x128xf32, #tpu.memory_space<vmem>>
    %dma_start3A_26 = tpu.memref_squeeze %dma_start3A_25 : memref<1x8x8x128xf32, #tpu.memory_space<vmem>> -> memref<8x8x128xf32, #tpu.memory_space<vmem>>
    %dma_start3A_27 = arith.constant 8 : i32
    %dma_start3A_28 = tpu.memref_slice %arg5[%dma_start3A_27] : memref<1792xi32, #tpu.memory_space<vmem>> -> memref<8xi32, #tpu.memory_space<vmem>>
    %dma_start3A_29 = arith.constant 0 : i32
    %dma_start3A_30 = arith.constant 0 : i32
    %dma_start3A_31 = arith.constant 0 : i32
    %dma_start3A_32 = tpu.memref_slice %arg3[%dma_start3A_29, %dma_start3A_30, %dma_start3A_31] : memref<1000x8x128xf32, #tpu.memory_space<hbm>> -> memref<1000x8x128xf32, #tpu.memory_space<hbm>>
    tpu.enqueue_indirect_dma source(%dma_start3A_32 : memref<1000x8x128xf32, #tpu.memory_space<hbm>>) target(%dma_start3A_26 : memref<8x8x128xf32, #tpu.memory_space<vmem>>) offsets(%dma_start3A_28 : memref<8xi32, #tpu.memory_space<vmem>>) semaphore(%arg8 : memref<!tpu.dma_semaphore, #tpu.memory_space<semaphore_mem>>)
    %rem3A_33 = arith.constant 2 : i32
    %rem3A_34 = arith.constant 6 : i32
    %rem3A_35 = arith.remsi %rem3A_33, %rem3A_34 : i32
    %dma_start3A_36 = arith.constant 0 : i32
    %dma_start3A_37 = arith.constant 0 : i32
    %dma_start3A_38 = arith.constant 0 : i32
    %dma_start3A_39 = tpu.memref_slice %arg6[%rem3A_35, %dma_start3A_36, %dma_start3A_37, %dma_start3A_38] : memref<6x8x8x128xf32, #tpu.memory_space<vmem>> -> memref<1x8x8x128xf32, #tpu.memory_space<vmem>>
    %dma_start3A_40 = tpu.memref_squeeze %dma_start3A_39 : memref<1x8x8x128xf32, #tpu.memory_space<vmem>> -> memref<8x8x128xf32, #tpu.memory_space<vmem>>
    %dma_start3A_41 = arith.constant 16 : i32
    %dma_start3A_42 = tpu.memref_slice %arg5[%dma_start3A_41] : memref<1792xi32, #tpu.memory_space<vmem>> -> memref<8xi32, #tpu.memory_space<vmem>>
    %dma_start3A_43 = arith.constant 0 : i32
    %dma_start3A_44 = arith.constant 0 : i32
    %dma_start3A_45 = arith.constant 0 : i32
    %dma_start3A_46 = tpu.memref_slice %arg3[%dma_start3A_43, %dma_start3A_44, %dma_start3A_45] : memref<1000x8x128xf32, #tpu.memory_space<hbm>> -> memref<1000x8x128xf32, #tpu.memory_space<hbm>>
    tpu.enqueue_indirect_dma source(%dma_start3A_46 : memref<1000x8x128xf32, #tpu.memory_space<hbm>>) target(%dma_start3A_40 : memref<8x8x128xf32, #tpu.memory_space<vmem>>) offsets(%dma_start3A_42 : memref<8xi32, #tpu.memory_space<vmem>>) semaphore(%arg8 : memref<!tpu.dma_semaphore, #tpu.memory_space<semaphore_mem>>)
    %rem3A_47 = arith.constant 3 : i32
    %rem3A_48 = arith.constant 6 : i32
    %rem3A_49 = arith.remsi %rem3A_47, %rem3A_48 : i32
    %dma_start3A_50 = arith.constant 0 : i32
    %dma_start3A_51 = arith.constant 0 : i32
    %dma_start3A_52 = arith.constant 0 : i32
    %dma_start3A_53 = tpu.memref_slice %arg6[%rem3A_49, %dma_start3A_50, %dma_start3A_51, %dma_start3A_52] : memref<6x8x8x128xf32, #tpu.memory_space<vmem>> -> memref<1x8x8x128xf32, #tpu.memory_space<vmem>>
    %dma_start3A_54 = tpu.memref_squeeze %dma_start3A_53 : memref<1x8x8x128xf32, #tpu.memory_space<vmem>> -> memref<8x8x128xf32, #tpu.memory_space<vmem>>
    %dma_start3A_55 = arith.constant 24 : i32
    %dma_start3A_56 = tpu.memref_slice %arg5[%dma_start3A_55] : memref<1792xi32, #tpu.memory_space<vmem>> -> memref<8xi32, #tpu.memory_space<vmem>>
    %dma_start3A_57 = arith.constant 0 : i32
    %dma_start3A_58 = arith.constant 0 : i32
    %dma_start3A_59 = arith.constant 0 : i32
    %dma_start3A_60 = tpu.memref_slice %arg3[%dma_start3A_57, %dma_start3A_58, %dma_start3A_59] : memref<1000x8x128xf32, #tpu.memory_space<hbm>> -> memref<1000x8x128xf32, #tpu.memory_space<hbm>>
    tpu.enqueue_indirect_dma source(%dma_start3A_60 : memref<1000x8x128xf32, #tpu.memory_space<hbm>>) target(%dma_start3A_54 : memref<8x8x128xf32, #tpu.memory_space<vmem>>) offsets(%dma_start3A_56 : memref<8xi32, #tpu.memory_space<vmem>>) semaphore(%arg8 : memref<!tpu.dma_semaphore, #tpu.memory_space<semaphore_mem>>)
    %rem3A_61 = arith.constant 4 : i32
    %rem3A_62 = arith.constant 6 : i32
    %rem3A_63 = arith.remsi %rem3A_61, %rem3A_62 : i32
    %dma_start3A_64 = arith.constant 0 : i32
    %dma_start3A_65 = arith.constant 0 : i32
    %dma_start3A_66 = arith.constant 0 : i32
    %dma_start3A_67 = tpu.memref_slice %arg6[%rem3A_63, %dma_start3A_64, %dma_start3A_65, %dma_start3A_66] : memref<6x8x8x128xf32, #tpu.memory_space<vmem>> -> memref<1x8x8x128xf32, #tpu.memory_space<vmem>>
    %dma_start3A_68 = tpu.memref_squeeze %dma_start3A_67 : memref<1x8x8x128xf32, #tpu.memory_space<vmem>> -> memref<8x8x128xf32, #tpu.memory_space<vmem>>
    %dma_start3A_69 = arith.constant 32 : i32
    %dma_start3A_70 = tpu.memref_slice %arg5[%dma_start3A_69] : memref<1792xi32, #tpu.memory_space<vmem>> -> memref<8xi32, #tpu.memory_space<vmem>>
    %dma_start3A_71 = arith.constant 0 : i32
    %dma_start3A_72 = arith.constant 0 : i32
    %dma_start3A_73 = arith.constant 0 : i32
    %dma_start3A_74 = tpu.memref_slice %arg3[%dma_start3A_71, %dma_start3A_72, %dma_start3A_73] : memref<1000x8x128xf32, #tpu.memory_space<hbm>> -> memref<1000x8x128xf32, #tpu.memory_space<hbm>>
    tpu.enqueue_indirect_dma source(%dma_start3A_74 : memref<1000x8x128xf32, #tpu.memory_space<hbm>>) target(%dma_start3A_68 : memref<8x8x128xf32, #tpu.memory_space<vmem>>) offsets(%dma_start3A_70 : memref<8xi32, #tpu.memory_space<vmem>>) semaphore(%arg8 : memref<!tpu.dma_semaphore, #tpu.memory_space<semaphore_mem>>)
    %scan3A = arith.constant 0 : i32
    %scan3A_75 = arith.constant 224 : i32
    %scan3A_76 = arith.addi %scan3A, %scan3A_75 : i32
    %scan3A_77 = arith.constant 1 : i32
    scf.for %scan3A_84 = %scan3A to %scan3A_76 step %scan3A_77  : i32 {
      %mul3A_85 = arith.constant 1 : i32
      %mul3A_86 = arith.muli %scan3A_84, %mul3A_85 : i32
      %add3A_87 = arith.constant 0 : i32
      %add3A_88 = arith.addi %add3A_87, %mul3A_86 : i32
      %rem3A_89 = arith.constant 6 : i32
      %rem3A_90 = arith.remsi %add3A_88, %rem3A_89 : i32
      %rem3A_91 = arith.constant 6 : i32
      %rem3A_92 = arith.remsi %add3A_88, %rem3A_91 : i32
      %ge3A = arith.constant 6 : i32
      %ge3A_93 = arith.cmpi sge, %add3A_88, %ge3A : i32
      %convert_element_type3A = arith.extui %ge3A_93 : i1 to i32
      %cond3A = arith.constant 0 : i32
      %cond3A_94 = arith.cmpi ne, %convert_element_type3A, %cond3A : i32
      scf.if %cond3A_94 {
        %dma_wait3A_134 = arith.constant 0 : i32
        %dma_wait3A_135 = arith.constant 0 : i32
        %dma_wait3A_136 = arith.constant 0 : i32
        %dma_wait3A_137 = tpu.memref_slice %arg7[%rem3A_92, %dma_wait3A_135, %dma_wait3A_136] : memref<6x8x1024xf32, #tpu.memory_space<vmem>> -> memref<1x8x1024xf32, #tpu.memory_space<vmem>>
        %dma_wait3A_138 = tpu.memref_squeeze %dma_wait3A_137 : memref<1x8x1024xf32, #tpu.memory_space<vmem>> -> memref<8x1024xf32, #tpu.memory_space<vmem>>
        %dma_wait3A_139 = arith.constant 0 : i32
        %dma_wait3A_140 = arith.constant 0 : i32
        %dma_wait3A_141 = tpu.memref_slice %arg4[%dma_wait3A_134, %dma_wait3A_139, %dma_wait3A_140] : memref<1024x56x1024xf32, #tpu.memory_space<hbm>> -> memref<1x8x1024xf32, #tpu.memory_space<hbm>>
        %dma_wait3A_142 = tpu.memref_squeeze %dma_wait3A_141 : memref<1x8x1024xf32, #tpu.memory_space<hbm>> -> memref<8x1024xf32, #tpu.memory_space<hbm>>
        %dma_wait3A_143 = arith.constant 0 : i32
        %dma_wait3A_144 = arith.constant 0 : i32
        %dma_wait3A_145 = tpu.memref_slice %arg4[%dma_wait3A_134, %dma_wait3A_143, %dma_wait3A_144] : memref<1024x56x1024xf32, #tpu.memory_space<hbm>> -> memref<1x8x1024xf32, #tpu.memory_space<hbm>>
        %dma_wait3A_146 = tpu.memref_squeeze %dma_wait3A_145 : memref<1x8x1024xf32, #tpu.memory_space<hbm>> -> memref<8x1024xf32, #tpu.memory_space<hbm>>
        %dma_wait3A_147 = arith.constant 0 : i32
        %dma_wait3A_148 = arith.constant 0 : i32
        %dma_wait3A_149 = tpu.memref_slice %arg7[%rem3A_92, %dma_wait3A_147, %dma_wait3A_148] : memref<6x8x1024xf32, #tpu.memory_space<vmem>> -> memref<1x8x1024xf32, #tpu.memory_space<vmem>>
        %dma_wait3A_150 = tpu.memref_squeeze %dma_wait3A_149 : memref<1x8x1024xf32, #tpu.memory_space<vmem>> -> memref<8x1024xf32, #tpu.memory_space<vmem>>
        tpu.wait_dma2 semaphore(%arg9 : memref<!tpu.dma_semaphore, #tpu.memory_space<semaphore_mem>>) src(%dma_wait3A_150 : memref<8x1024xf32, #tpu.memory_space<vmem>>) dst(%dma_wait3A_146 : memref<8x1024xf32, #tpu.memory_space<hbm>>)
      } else {
      }
      %mul3A_95 = arith.constant 8 : i32
      %mul3A_96 = arith.muli %add3A_88, %mul3A_95 : i32
      %dma_wait3A = arith.constant 0 : i32
      %dma_wait3A_97 = arith.constant 0 : i32
      %dma_wait3A_98 = arith.constant 0 : i32
      %dma_wait3A_99 = tpu.memref_slice %arg6[%rem3A_90, %dma_wait3A, %dma_wait3A_97, %dma_wait3A_98] : memref<6x8x8x128xf32, #tpu.memory_space<vmem>> -> memref<1x8x8x128xf32, #tpu.memory_space<vmem>>
      %dma_wait3A_100 = tpu.memref_squeeze %dma_wait3A_99 : memref<1x8x8x128xf32, #tpu.memory_space<vmem>> -> memref<8x8x128xf32, #tpu.memory_space<vmem>>
      %dma_wait3A_101 = tpu.memref_slice %arg5[%mul3A_96] : memref<1792xi32, #tpu.memory_space<vmem>> -> memref<8xi32, #tpu.memory_space<vmem>>
      %dma_wait3A_102 = arith.constant 0 : i32
      %dma_wait3A_103 = arith.constant 0 : i32
      %dma_wait3A_104 = arith.constant 0 : i32
      %dma_wait3A_105 = tpu.memref_slice %arg3[%dma_wait3A_102, %dma_wait3A_103, %dma_wait3A_104] : memref<1000x8x128xf32, #tpu.memory_space<hbm>> -> memref<1000x8x128xf32, #tpu.memory_space<hbm>>
      tpu.wait_indirect_dma semaphore(%arg8 : memref<!tpu.dma_semaphore, #tpu.memory_space<semaphore_mem>>) src(%dma_wait3A_105 : memref<1000x8x128xf32, #tpu.memory_space<hbm>>) dst(%dma_wait3A_100 : memref<8x8x128xf32, #tpu.memory_space<vmem>>)
      %parallel_loop3A = arith.constant 0 : i32
      %parallel_loop3A_106 = arith.constant 8 : i32
      %parallel_loop3A_107 = arith.constant 1 : i32
      scf.for %parallel_loop3A_134 = %parallel_loop3A to %parallel_loop3A_106 step %parallel_loop3A_107  : i32 {
        %parallel_loop3A_135 = arith.constant 0 : i32
        %parallel_loop3A_136 = arith.index_cast %rem3A_90 : i32 to index
        %parallel_loop3A_137 = arith.index_cast %parallel_loop3A_134 : i32 to index
        %parallel_loop3A_138 = arith.index_cast %parallel_loop3A_135 : i32 to index
        %parallel_loop3A_139 = arith.constant 0 : index
        %parallel_loop3A_140 = tpu.vector_load %arg6[%parallel_loop3A_136, %parallel_loop3A_137, %parallel_loop3A_138, %parallel_loop3A_139] {strides = array<i32>} : memref<6x8x8x128xf32, #tpu.memory_space<vmem>>, vector<1x1x1x16xf32>,
        %parallel_loop3A_141 = vector.shape_cast %parallel_loop3A_140 : vector<1x1x1x16xf32> to vector<16xf32>
        %parallel_loop3A_142 = arith.constant 0 : i32
        %parallel_loop3A_143 = arith.index_cast %rem3A_90 : i32 to index
        %parallel_loop3A_144 = arith.index_cast %parallel_loop3A_134 : i32 to index
        %parallel_loop3A_145 = arith.index_cast %parallel_loop3A_142 : i32 to index
        %parallel_loop3A_146 = arith.constant 16 : index
        %parallel_loop3A_147 = tpu.vector_load %arg6[%parallel_loop3A_143, %parallel_loop3A_144, %parallel_loop3A_145, %parallel_loop3A_146] {strides = array<i32>} : memref<6x8x8x128xf32, #tpu.memory_space<vmem>>, vector<1x1x1x16xf32>,
        %parallel_loop3A_148 = vector.shape_cast %parallel_loop3A_147 : vector<1x1x1x16xf32> to vector<16xf32>
        %parallel_loop3A_149 = arith.constant 0 : i32
        %parallel_loop3A_150 = arith.index_cast %rem3A_90 : i32 to index
        %parallel_loop3A_151 = arith.index_cast %parallel_loop3A_134 : i32 to index
        %parallel_loop3A_152 = arith.index_cast %parallel_loop3A_149 : i32 to index
        %parallel_loop3A_153 = arith.constant 32 : index
        %parallel_loop3A_154 = tpu.vector_load %arg6[%parallel_loop3A_150, %parallel_loop3A_151, %parallel_loop3A_152, %parallel_loop3A_153] {strides = array<i32>} : memref<6x8x8x128xf32, #tpu.memory_space<vmem>>, vector<1x1x1x16xf32>,
        %parallel_loop3A_155 = vector.shape_cast %parallel_loop3A_154 : vector<1x1x1x16xf32> to vector<16xf32>
        %parallel_loop3A_156 = arith.constant 0 : i32
        %parallel_loop3A_157 = arith.index_cast %rem3A_90 : i32 to index
        %parallel_loop3A_158 = arith.index_cast %parallel_loop3A_134 : i32 to index
        %parallel_loop3A_159 = arith.index_cast %parallel_loop3A_156 : i32 to index
        %parallel_loop3A_160 = arith.constant 48 : index
        %parallel_loop3A_161 = tpu.vector_load %arg6[%parallel_loop3A_157, %parallel_loop3A_158, %parallel_loop3A_159, %parallel_loop3A_160] {strides = array<i32>} : memref<6x8x8x128xf32, #tpu.memory_space<vmem>>, vector<1x1x1x16xf32>,
        %parallel_loop3A_162 = vector.shape_cast %parallel_loop3A_161 : vector<1x1x1x16xf32> to vector<16xf32>
        %parallel_loop3A_163 = arith.constant 0 : i32
        %parallel_loop3A_164 = arith.index_cast %rem3A_90 : i32 to index
        %parallel_loop3A_165 = arith.index_cast %parallel_loop3A_134 : i32 to index
        %parallel_loop3A_166 = arith.index_cast %parallel_loop3A_163 : i32 to index
        %parallel_loop3A_167 = arith.constant 64 : index
        %parallel_loop3A_168 = tpu.vector_load %arg6[%parallel_loop3A_164, %parallel_loop3A_165, %parallel_loop3A_166, %parallel_loop3A_167] {strides = array<i32>} : memref<6x8x8x128xf32, #tpu.memory_space<vmem>>, vector<1x1x1x16xf32>,
        %parallel_loop3A_169 = vector.shape_cast %parallel_loop3A_168 : vector<1x1x1x16xf32> to vector<16xf32>
        %parallel_loop3A_170 = arith.constant 0 : i32
        %parallel_loop3A_171 = arith.index_cast %rem3A_90 : i32 to index
        %parallel_loop3A_172 = arith.index_cast %parallel_loop3A_134 : i32 to index
        %parallel_loop3A_173 = arith.index_cast %parallel_loop3A_170 : i32 to index
        %parallel_loop3A_174 = arith.constant 80 : index
        %parallel_loop3A_175 = tpu.vector_load %arg6[%parallel_loop3A_171, %parallel_loop3A_172, %parallel_loop3A_173, %parallel_loop3A_174] {strides = array<i32>} : memref<6x8x8x128xf32, #tpu.memory_space<vmem>>, vector<1x1x1x16xf32>,
        %parallel_loop3A_176 = vector.shape_cast %parallel_loop3A_175 : vector<1x1x1x16xf32> to vector<16xf32>
        %parallel_loop3A_177 = arith.constant 0 : i32
        %parallel_loop3A_178 = arith.index_cast %rem3A_90 : i32 to index
        %parallel_loop3A_179 = arith.index_cast %parallel_loop3A_134 : i32 to index
        %parallel_loop3A_180 = arith.index_cast %parallel_loop3A_177 : i32 to index
        %parallel_loop3A_181 = arith.constant 96 : index
        %parallel_loop3A_182 = tpu.vector_load %arg6[%parallel_loop3A_178, %parallel_loop3A_179, %parallel_loop3A_180, %parallel_loop3A_181] {strides = array<i32>} : memref<6x8x8x128xf32, #tpu.memory_space<vmem>>, vector<1x1x1x16xf32>,
        %parallel_loop3A_183 = vector.shape_cast %parallel_loop3A_182 : vector<1x1x1x16xf32> to vector<16xf32>
        %parallel_loop3A_184 = arith.constant 0 : i32
        %parallel_loop3A_185 = arith.index_cast %rem3A_90 : i32 to index
        %parallel_loop3A_186 = arith.index_cast %parallel_loop3A_134 : i32 to index
        %parallel_loop3A_187 = arith.index_cast %parallel_loop3A_184 : i32 to index
        %parallel_loop3A_188 = arith.constant 112 : index
        %parallel_loop3A_189 = tpu.vector_load %arg6[%parallel_loop3A_185, %parallel_loop3A_186, %parallel_loop3A_187, %parallel_loop3A_188] {strides = array<i32>} : memref<6x8x8x128xf32, #tpu.memory_space<vmem>>, vector<1x1x1x16xf32>,
        %parallel_loop3A_190 = vector.shape_cast %parallel_loop3A_189 : vector<1x1x1x16xf32> to vector<16xf32>
        %parallel_loop3A_191 = arith.index_cast %rem3A_92 : i32 to index
        %parallel_loop3A_192 = arith.index_cast %parallel_loop3A_134 : i32 to index
        %parallel_loop3A_193 = arith.constant 0 : index
        %parallel_loop3A_194 = tpu.vector_load %arg7[%parallel_loop3A_191, %parallel_loop3A_192, %parallel_loop3A_193] {strides = array<i32>} : memref<6x8x1024xf32, #tpu.memory_space<vmem>>, vector<1x1x16xf32>,
        %parallel_loop3A_195 = vector.shape_cast %parallel_loop3A_194 : vector<1x1x16xf32> to vector<16xf32>
        %parallel_loop3A_196 = vector.shape_cast %parallel_loop3A_141 : vector<16xf32> to vector<1x1x16xf32>
        tpu.vector_store %arg7[%parallel_loop3A_191, %parallel_loop3A_192, %parallel_loop3A_193], %parallel_loop3A_196 {strides = array<i32>} : memref<6x8x1024xf32, #tpu.memory_space<vmem>>, vector<1x1x16xf32>,
        %parallel_loop3A_197 = arith.index_cast %rem3A_92 : i32 to index
        %parallel_loop3A_198 = arith.index_cast %parallel_loop3A_134 : i32 to index
        %parallel_loop3A_199 = arith.constant 16 : index
        %parallel_loop3A_200 = tpu.vector_load %arg7[%parallel_loop3A_197, %parallel_loop3A_198, %parallel_loop3A_199] {strides = array<i32>} : memref<6x8x1024xf32, #tpu.memory_space<vmem>>, vector<1x1x16xf32>,
        %parallel_loop3A_201 = vector.shape_cast %parallel_loop3A_200 : vector<1x1x16xf32> to vector<16xf32>
        %parallel_loop3A_202 = vector.shape_cast %parallel_loop3A_148 : vector<16xf32> to vector<1x1x16xf32>
        tpu.vector_store %arg7[%parallel_loop3A_197, %parallel_loop3A_198, %parallel_loop3A_199], %parallel_loop3A_202 {strides = array<i32>} : memref<6x8x1024xf32, #tpu.memory_space<vmem>>, vector<1x1x16xf32>,
        %parallel_loop3A_203 = arith.index_cast %rem3A_92 : i32 to index
        %parallel_loop3A_204 = arith.index_cast %parallel_loop3A_134 : i32 to index
        %parallel_loop3A_205 = arith.constant 32 : index
        %parallel_loop3A_206 = tpu.vector_load %arg7[%parallel_loop3A_203, %parallel_loop3A_204, %parallel_loop3A_205] {strides = array<i32>} : memref<6x8x1024xf32, #tpu.memory_space<vmem>>, vector<1x1x16xf32>,
        %parallel_loop3A_207 = vector.shape_cast %parallel_loop3A_206 : vector<1x1x16xf32> to vector<16xf32>
        %parallel_loop3A_208 = vector.shape_cast %parallel_loop3A_155 : vector<16xf32> to vector<1x1x16xf32>
        tpu.vector_store %arg7[%parallel_loop3A_203, %parallel_loop3A_204, %parallel_loop3A_205], %parallel_loop3A_208 {strides = array<i32>} : memref<6x8x1024xf32, #tpu.memory_space<vmem>>, vector<1x1x16xf32>,
        %parallel_loop3A_209 = arith.index_cast %rem3A_92 : i32 to index
        %parallel_loop3A_210 = arith.index_cast %parallel_loop3A_134 : i32 to index
        %parallel_loop3A_211 = arith.constant 48 : index
        %parallel_loop3A_212 = tpu.vector_load %arg7[%parallel_loop3A_209, %parallel_loop3A_210, %parallel_loop3A_211] {strides = array<i32>} : memref<6x8x1024xf32, #tpu.memory_space<vmem>>, vector<1x1x16xf32>,
        %parallel_loop3A_213 = vector.shape_cast %parallel_loop3A_212 : vector<1x1x16xf32> to vector<16xf32>
        %parallel_loop3A_214 = vector.shape_cast %parallel_loop3A_162 : vector<16xf32> to vector<1x1x16xf32>
        tpu.vector_store %arg7[%parallel_loop3A_209, %parallel_loop3A_210, %parallel_loop3A_211], %parallel_loop3A_214 {strides = array<i32>} : memref<6x8x1024xf32, #tpu.memory_space<vmem>>, vector<1x1x16xf32>,
        %parallel_loop3A_215 = arith.index_cast %rem3A_92 : i32 to index
        %parallel_loop3A_216 = arith.index_cast %parallel_loop3A_134 : i32 to index
        %parallel_loop3A_217 = arith.constant 64 : index
        %parallel_loop3A_218 = tpu.vector_load %arg7[%parallel_loop3A_215, %parallel_loop3A_216, %parallel_loop3A_217] {strides = array<i32>} : memref<6x8x1024xf32, #tpu.memory_space<vmem>>, vector<1x1x16xf32>,
        %parallel_loop3A_219 = vector.shape_cast %parallel_loop3A_218 : vector<1x1x16xf32> to vector<16xf32>
        %parallel_loop3A_220 = vector.shape_cast %parallel_loop3A_169 : vector<16xf32> to vector<1x1x16xf32>
        tpu.vector_store %arg7[%parallel_loop3A_215, %parallel_loop3A_216, %parallel_loop3A_217], %parallel_loop3A_220 {strides = array<i32>} : memref<6x8x1024xf32, #tpu.memory_space<vmem>>, vector<1x1x16xf32>,
        %parallel_loop3A_221 = arith.index_cast %rem3A_92 : i32 to index
        %parallel_loop3A_222 = arith.index_cast %parallel_loop3A_134 : i32 to index
        %parallel_loop3A_223 = arith.constant 80 : index
        %parallel_loop3A_224 = tpu.vector_load %arg7[%parallel_loop3A_221, %parallel_loop3A_222, %parallel_loop3A_223] {strides = array<i32>} : memref<6x8x1024xf32, #tpu.memory_space<vmem>>, vector<1x1x16xf32>,
        %parallel_loop3A_225 = vector.shape_cast %parallel_loop3A_224 : vector<1x1x16xf32> to vector<16xf32>
        %parallel_loop3A_226 = vector.shape_cast %parallel_loop3A_176 : vector<16xf32> to vector<1x1x16xf32>
        tpu.vector_store %arg7[%parallel_loop3A_221, %parallel_loop3A_222, %parallel_loop3A_223], %parallel_loop3A_226 {strides = array<i32>} : memref<6x8x1024xf32, #tpu.memory_space<vmem>>, vector<1x1x16xf32>,
        %parallel_loop3A_227 = arith.index_cast %rem3A_92 : i32 to index
        %parallel_loop3A_228 = arith.index_cast %parallel_loop3A_134 : i32 to index
        %parallel_loop3A_229 = arith.constant 96 : index
        %parallel_loop3A_230 = tpu.vector_load %arg7[%parallel_loop3A_227, %parallel_loop3A_228, %parallel_loop3A_229] {strides = array<i32>} : memref<6x8x1024xf32, #tpu.memory_space<vmem>>, vector<1x1x16xf32>,
        %parallel_loop3A_231 = vector.shape_cast %parallel_loop3A_230 : vector<1x1x16xf32> to vector<16xf32>
        %parallel_loop3A_232 = vector.shape_cast %parallel_loop3A_183 : vector<16xf32> to vector<1x1x16xf32>
        tpu.vector_store %arg7[%parallel_loop3A_227, %parallel_loop3A_228, %parallel_loop3A_229], %parallel_loop3A_232 {strides = array<i32>} : memref<6x8x1024xf32, #tpu.memory_space<vmem>>, vector<1x1x16xf32>,
        %parallel_loop3A_233 = arith.index_cast %rem3A_92 : i32 to index
        %parallel_loop3A_234 = arith.index_cast %parallel_loop3A_134 : i32 to index
        %parallel_loop3A_235 = arith.constant 112 : index
        %parallel_loop3A_236 = tpu.vector_load %arg7[%parallel_loop3A_233, %parallel_loop3A_234, %parallel_loop3A_235] {strides = array<i32>} : memref<6x8x1024xf32, #tpu.memory_space<vmem>>, vector<1x1x16xf32>,
        %parallel_loop3A_237 = vector.shape_cast %parallel_loop3A_236 : vector<1x1x16xf32> to vector<16xf32>
        %parallel_loop3A_238 = vector.shape_cast %parallel_loop3A_190 : vector<16xf32> to vector<1x1x16xf32>
        tpu.vector_store %arg7[%parallel_loop3A_233, %parallel_loop3A_234, %parallel_loop3A_235], %parallel_loop3A_238 {strides = array<i32>} : memref<6x8x1024xf32, #tpu.memory_space<vmem>>, vector<1x1x16xf32>,
        %parallel_loop3A_239 = arith.constant 1 : i32
        %parallel_loop3A_240 = arith.index_cast %rem3A_90 : i32 to index
        %parallel_loop3A_241 = arith.index_cast %parallel_loop3A_134 : i32 to index
        %parallel_loop3A_242 = arith.index_cast %parallel_loop3A_239 : i32 to index
        %parallel_loop3A_243 = arith.constant 0 : index
        %parallel_loop3A_244 = tpu.vector_load %arg6[%parallel_loop3A_240, %parallel_loop3A_241, %parallel_loop3A_242, %parallel_loop3A_243] {strides = array<i32>} : memref<6x8x8x128xf32, #tpu.memory_space<vmem>>, vector<1x1x1x16xf32>,
        %parallel_loop3A_245 = vector.shape_cast %parallel_loop3A_244 : vector<1x1x1x16xf32> to vector<16xf32>
        %parallel_loop3A_246 = arith.constant 1 : i32
        %parallel_loop3A_247 = arith.index_cast %rem3A_90 : i32 to index
        %parallel_loop3A_248 = arith.index_cast %parallel_loop3A_134 : i32 to index
        %parallel_loop3A_249 = arith.index_cast %parallel_loop3A_246 : i32 to index
        %parallel_loop3A_250 = arith.constant 16 : index
        %parallel_loop3A_251 = tpu.vector_load %arg6[%parallel_loop3A_247, %parallel_loop3A_248, %parallel_loop3A_249, %parallel_loop3A_250] {strides = array<i32>} : memref<6x8x8x128xf32, #tpu.memory_space<vmem>>, vector<1x1x1x16xf32>,
        %parallel_loop3A_252 = vector.shape_cast %parallel_loop3A_251 : vector<1x1x1x16xf32> to vector<16xf32>
        %parallel_loop3A_253 = arith.constant 1 : i32
        %parallel_loop3A_254 = arith.index_cast %rem3A_90 : i32 to index
        %parallel_loop3A_255 = arith.index_cast %parallel_loop3A_134 : i32 to index
        %parallel_loop3A_256 = arith.index_cast %parallel_loop3A_253 : i32 to index
        %parallel_loop3A_257 = arith.constant 32 : index
        %parallel_loop3A_258 = tpu.vector_load %arg6[%parallel_loop3A_254, %parallel_loop3A_255, %parallel_loop3A_256, %parallel_loop3A_257] {strides = array<i32>} : memref<6x8x8x128xf32, #tpu.memory_space<vmem>>, vector<1x1x1x16xf32>,
        %parallel_loop3A_259 = vector.shape_cast %parallel_loop3A_258 : vector<1x1x1x16xf32> to vector<16xf32>
        %parallel_loop3A_260 = arith.constant 1 : i32
        %parallel_loop3A_261 = arith.index_cast %rem3A_90 : i32 to index
        %parallel_loop3A_262 = arith.index_cast %parallel_loop3A_134 : i32 to index
        %parallel_loop3A_263 = arith.index_cast %parallel_loop3A_260 : i32 to index
        %parallel_loop3A_264 = arith.constant 48 : index
        %parallel_loop3A_265 = tpu.vector_load %arg6[%parallel_loop3A_261, %parallel_loop3A_262, %parallel_loop3A_263, %parallel_loop3A_264] {strides = array<i32>} : memref<6x8x8x128xf32, #tpu.memory_space<vmem>>, vector<1x1x1x16xf32>,
        %parallel_loop3A_266 = vector.shape_cast %parallel_loop3A_265 : vector<1x1x1x16xf32> to vector<16xf32>
        %parallel_loop3A_267 = arith.constant 1 : i32
        %parallel_loop3A_268 = arith.index_cast %rem3A_90 : i32 to index
        %parallel_loop3A_269 = arith.index_cast %parallel_loop3A_134 : i32 to index
        %parallel_loop3A_270 = arith.index_cast %parallel_loop3A_267 : i32 to index
        %parallel_loop3A_271 = arith.constant 64 : index
        %parallel_loop3A_272 = tpu.vector_load %arg6[%parallel_loop3A_268, %parallel_loop3A_269, %parallel_loop3A_270, %parallel_loop3A_271] {strides = array<i32>} : memref<6x8x8x128xf32, #tpu.memory_space<vmem>>, vector<1x1x1x16xf32>,
        %parallel_loop3A_273 = vector.shape_cast %parallel_loop3A_272 : vector<1x1x1x16xf32> to vector<16xf32>
        %parallel_loop3A_274 = arith.constant 1 : i32
        %parallel_loop3A_275 = arith.index_cast %rem3A_90 : i32 to index
        %parallel_loop3A_276 = arith.index_cast %parallel_loop3A_134 : i32 to index
        %parallel_loop3A_277 = arith.index_cast %parallel_loop3A_274 : i32 to index
        %parallel_loop3A_278 = arith.constant 80 : index
        %parallel_loop3A_279 = tpu.vector_load %arg6[%parallel_loop3A_275, %parallel_loop3A_276, %parallel_loop3A_277, %parallel_loop3A_278] {strides = array<i32>} : memref<6x8x8x128xf32, #tpu.memory_space<vmem>>, vector<1x1x1x16xf32>,
        %parallel_loop3A_280 = vector.shape_cast %parallel_loop3A_279 : vector<1x1x1x16xf32> to vector<16xf32>
        %parallel_loop3A_281 = arith.constant 1 : i32
        %parallel_loop3A_282 = arith.index_cast %rem3A_90 : i32 to index
        %parallel_loop3A_283 = arith.index_cast %parallel_loop3A_134 : i32 to index
        %parallel_loop3A_284 = arith.index_cast %parallel_loop3A_281 : i32 to index
        %parallel_loop3A_285 = arith.constant 96 : index
        %parallel_loop3A_286 = tpu.vector_load %arg6[%parallel_loop3A_282, %parallel_loop3A_283, %parallel_loop3A_284, %parallel_loop3A_285] {strides = array<i32>} : memref<6x8x8x128xf32, #tpu.memory_space<vmem>>, vector<1x1x1x16xf32>,
        %parallel_loop3A_287 = vector.shape_cast %parallel_loop3A_286 : vector<1x1x1x16xf32> to vector<16xf32>
        %parallel_loop3A_288 = arith.constant 1 : i32
        %parallel_loop3A_289 = arith.index_cast %rem3A_90 : i32 to index
        %parallel_loop3A_290 = arith.index_cast %parallel_loop3A_134 : i32 to index
        %parallel_loop3A_291 = arith.index_cast %parallel_loop3A_288 : i32 to index
        %parallel_loop3A_292 = arith.constant 112 : index
        %parallel_loop3A_293 = tpu.vector_load %arg6[%parallel_loop3A_289, %parallel_loop3A_290, %parallel_loop3A_291, %parallel_loop3A_292] {strides = array<i32>} : memref<6x8x8x128xf32, #tpu.memory_space<vmem>>, vector<1x1x1x16xf32>,
        %parallel_loop3A_294 = vector.shape_cast %parallel_loop3A_293 : vector<1x1x1x16xf32> to vector<16xf32>
        %parallel_loop3A_295 = arith.index_cast %rem3A_92 : i32 to index
        %parallel_loop3A_296 = arith.index_cast %parallel_loop3A_134 : i32 to index
        %parallel_loop3A_297 = arith.constant 128 : index
        %parallel_loop3A_298 = tpu.vector_load %arg7[%parallel_loop3A_295, %parallel_loop3A_296, %parallel_loop3A_297] {strides = array<i32>} : memref<6x8x1024xf32, #tpu.memory_space<vmem>>, vector<1x1x16xf32>,
        %parallel_loop3A_299 = vector.shape_cast %parallel_loop3A_298 : vector<1x1x16xf32> to vector<16xf32>
        %parallel_loop3A_300 = vector.shape_cast %parallel_loop3A_245 : vector<16xf32> to vector<1x1x16xf32>
        tpu.vector_store %arg7[%parallel_loop3A_295, %parallel_loop3A_296, %parallel_loop3A_297], %parallel_loop3A_300 {strides = array<i32>} : memref<6x8x1024xf32, #tpu.memory_space<vmem>>, vector<1x1x16xf32>,
        %parallel_loop3A_301 = arith.index_cast %rem3A_92 : i32 to index
        %parallel_loop3A_302 = arith.index_cast %parallel_loop3A_134 : i32 to index
        %parallel_loop3A_303 = arith.constant 144 : index
        %parallel_loop3A_304 = tpu.vector_load %arg7[%parallel_loop3A_301, %parallel_loop3A_302, %parallel_loop3A_303] {strides = array<i32>} : memref<6x8x1024xf32, #tpu.memory_space<vmem>>, vector<1x1x16xf32>,
        %parallel_loop3A_305 = vector.shape_cast %parallel_loop3A_304 : vector<1x1x16xf32> to vector<16xf32>
        %parallel_loop3A_306 = vector.shape_cast %parallel_loop3A_252 : vector<16xf32> to vector<1x1x16xf32>
        tpu.vector_store %arg7[%parallel_loop3A_301, %parallel_loop3A_302, %parallel_loop3A_303], %parallel_loop3A_306 {strides = array<i32>} : memref<6x8x1024xf32, #tpu.memory_space<vmem>>, vector<1x1x16xf32>,
        %parallel_loop3A_307 = arith.index_cast %rem3A_92 : i32 to index
        %parallel_loop3A_308 = arith.index_cast %parallel_loop3A_134 : i32 to index
        %parallel_loop3A_309 = arith.constant 160 : index
        %parallel_loop3A_310 = tpu.vector_load %arg7[%parallel_loop3A_307, %parallel_loop3A_308, %parallel_loop3A_309] {strides = array<i32>} : memref<6x8x1024xf32, #tpu.memory_space<vmem>>, vector<1x1x16xf32>,
        %parallel_loop3A_311 = vector.shape_cast %parallel_loop3A_310 : vector<1x1x16xf32> to vector<16xf32>
        %parallel_loop3A_312 = vector.shape_cast %parallel_loop3A_259 : vector<16xf32> to vector<1x1x16xf32>
        tpu.vector_store %arg7[%parallel_loop3A_307, %parallel_loop3A_308, %parallel_loop3A_309], %parallel_loop3A_312 {strides = array<i32>} : memref<6x8x1024xf32, #tpu.memory_space<vmem>>, vector<1x1x16xf32>,
        %parallel_loop3A_313 = arith.index_cast %rem3A_92 : i32 to index
        %parallel_loop3A_314 = arith.index_cast %parallel_loop3A_134 : i32 to index
        %parallel_loop3A_315 = arith.constant 176 : index
        %parallel_loop3A_316 = tpu.vector_load %arg7[%parallel_loop3A_313, %parallel_loop3A_314, %parallel_loop3A_315] {strides = array<i32>} : memref<6x8x1024xf32, #tpu.memory_space<vmem>>, vector<1x1x16xf32>,
        %parallel_loop3A_317 = vector.shape_cast %parallel_loop3A_316 : vector<1x1x16xf32> to vector<16xf32>
        %parallel_loop3A_318 = vector.shape_cast %parallel_loop3A_266 : vector<16xf32> to vector<1x1x16xf32>
        tpu.vector_store %arg7[%parallel_loop3A_313, %parallel_loop3A_314, %parallel_loop3A_315], %parallel_loop3A_318 {strides = array<i32>} : memref<6x8x1024xf32, #tpu.memory_space<vmem>>, vector<1x1x16xf32>,
        %parallel_loop3A_319 = arith.index_cast %rem3A_92 : i32 to index
        %parallel_loop3A_320 = arith.index_cast %parallel_loop3A_134 : i32 to index
        %parallel_loop3A_321 = arith.constant 192 : index
        %parallel_loop3A_322 = tpu.vector_load %arg7[%parallel_loop3A_319, %parallel_loop3A_320, %parallel_loop3A_321] {strides = array<i32>} : memref<6x8x1024xf32, #tpu.memory_space<vmem>>, vector<1x1x16xf32>,
        %parallel_loop3A_323 = vector.shape_cast %parallel_loop3A_322 : vector<1x1x16xf32> to vector<16xf32>
        %parallel_loop3A_324 = vector.shape_cast %parallel_loop3A_273 : vector<16xf32> to vector<1x1x16xf32>
        tpu.vector_store %arg7[%parallel_loop3A_319, %parallel_loop3A_320, %parallel_loop3A_321], %parallel_loop3A_324 {strides = array<i32>} : memref<6x8x1024xf32, #tpu.memory_space<vmem>>, vector<1x1x16xf32>,
        %parallel_loop3A_325 = arith.index_cast %rem3A_92 : i32 to index
        %parallel_loop3A_326 = arith.index_cast %parallel_loop3A_134 : i32 to index
        %parallel_loop3A_327 = arith.constant 208 : index
        %parallel_loop3A_328 = tpu.vector_load %arg7[%parallel_loop3A_325, %parallel_loop3A_326, %parallel_loop3A_327] {strides = array<i32>} : memref<6x8x1024xf32, #tpu.memory_space<vmem>>, vector<1x1x16xf32>,
        %parallel_loop3A_329 = vector.shape_cast %parallel_loop3A_328 : vector<1x1x16xf32> to vector<16xf32>
        %parallel_loop3A_330 = vector.shape_cast %parallel_loop3A_280 : vector<16xf32> to vector<1x1x16xf32>
        tpu.vector_store %arg7[%parallel_loop3A_325, %parallel_loop3A_326, %parallel_loop3A_327], %parallel_loop3A_330 {strides = array<i32>} : memref<6x8x1024xf32, #tpu.memory_space<vmem>>, vector<1x1x16xf32>,
        %parallel_loop3A_331 = arith.index_cast %rem3A_92 : i32 to index
        %parallel_loop3A_332 = arith.index_cast %parallel_loop3A_134 : i32 to index
        %parallel_loop3A_333 = arith.constant 224 : index
        %parallel_loop3A_334 = tpu.vector_load %arg7[%parallel_loop3A_331, %parallel_loop3A_332, %parallel_loop3A_333] {strides = array<i32>} : memref<6x8x1024xf32, #tpu.memory_space<vmem>>, vector<1x1x16xf32>,
        %parallel_loop3A_335 = vector.shape_cast %parallel_loop3A_334 : vector<1x1x16xf32> to vector<16xf32>
        %parallel_loop3A_336 = vector.shape_cast %parallel_loop3A_287 : vector<16xf32> to vector<1x1x16xf32>
        tpu.vector_store %arg7[%parallel_loop3A_331, %parallel_loop3A_332, %parallel_loop3A_333], %parallel_loop3A_336 {strides = array<i32>} : memref<6x8x1024xf32, #tpu.memory_space<vmem>>, vector<1x1x16xf32>,
        %parallel_loop3A_337 = arith.index_cast %rem3A_92 : i32 to index
        %parallel_loop3A_338 = arith.index_cast %parallel_loop3A_134 : i32 to index
        %parallel_loop3A_339 = arith.constant 240 : index
        %parallel_loop3A_340 = tpu.vector_load %arg7[%parallel_loop3A_337, %parallel_loop3A_338, %parallel_loop3A_339] {strides = array<i32>} : memref<6x8x1024xf32, #tpu.memory_space<vmem>>, vector<1x1x16xf32>,
        %parallel_loop3A_341 = vector.shape_cast %parallel_loop3A_340 : vector<1x1x16xf32> to vector<16xf32>
        %parallel_loop3A_342 = vector.shape_cast %parallel_loop3A_294 : vector<16xf32> to vector<1x1x16xf32>
        tpu.vector_store %arg7[%parallel_loop3A_337, %parallel_loop3A_338, %parallel_loop3A_339], %parallel_loop3A_342 {strides = array<i32>} : memref<6x8x1024xf32, #tpu.memory_space<vmem>>, vector<1x1x16xf32>,
        %parallel_loop3A_343 = arith.constant 2 : i32
        %parallel_loop3A_344 = arith.index_cast %rem3A_90 : i32 to index
        %parallel_loop3A_345 = arith.index_cast %parallel_loop3A_134 : i32 to index
        %parallel_loop3A_346 = arith.index_cast %parallel_loop3A_343 : i32 to index
        %parallel_loop3A_347 = arith.constant 0 : index
        %parallel_loop3A_348 = tpu.vector_load %arg6[%parallel_loop3A_344, %parallel_loop3A_345, %parallel_loop3A_346, %parallel_loop3A_347] {strides = array<i32>} : memref<6x8x8x128xf32, #tpu.memory_space<vmem>>, vector<1x1x1x16xf32>,
        %parallel_loop3A_349 = vector.shape_cast %parallel_loop3A_348 : vector<1x1x1x16xf32> to vector<16xf32>
        %parallel_loop3A_350 = arith.constant 2 : i32
        %parallel_loop3A_351 = arith.index_cast %rem3A_90 : i32 to index
        %parallel_loop3A_352 = arith.index_cast %parallel_loop3A_134 : i32 to index
        %parallel_loop3A_353 = arith.index_cast %parallel_loop3A_350 : i32 to index
        %parallel_loop3A_354 = arith.constant 16 : index
        %parallel_loop3A_355 = tpu.vector_load %arg6[%parallel_loop3A_351, %parallel_loop3A_352, %parallel_loop3A_353, %parallel_loop3A_354] {strides = array<i32>} : memref<6x8x8x128xf32, #tpu.memory_space<vmem>>, vector<1x1x1x16xf32>,
        %parallel_loop3A_356 = vector.shape_cast %parallel_loop3A_355 : vector<1x1x1x16xf32> to vector<16xf32>
        %parallel_loop3A_357 = arith.constant 2 : i32
        %parallel_loop3A_358 = arith.index_cast %rem3A_90 : i32 to index
        %parallel_loop3A_359 = arith.index_cast %parallel_loop3A_134 : i32 to index
        %parallel_loop3A_360 = arith.index_cast %parallel_loop3A_357 : i32 to index
        %parallel_loop3A_361 = arith.constant 32 : index
        %parallel_loop3A_362 = tpu.vector_load %arg6[%parallel_loop3A_358, %parallel_loop3A_359, %parallel_loop3A_360, %parallel_loop3A_361] {strides = array<i32>} : memref<6x8x8x128xf32, #tpu.memory_space<vmem>>, vector<1x1x1x16xf32>,
        %parallel_loop3A_363 = vector.shape_cast %parallel_loop3A_362 : vector<1x1x1x16xf32> to vector<16xf32>
        %parallel_loop3A_364 = arith.constant 2 : i32
        %parallel_loop3A_365 = arith.index_cast %rem3A_90 : i32 to index
        %parallel_loop3A_366 = arith.index_cast %parallel_loop3A_134 : i32 to index
        %parallel_loop3A_367 = arith.index_cast %parallel_loop3A_364 : i32 to index
        %parallel_loop3A_368 = arith.constant 48 : index
        %parallel_loop3A_369 = tpu.vector_load %arg6[%parallel_loop3A_365, %parallel_loop3A_366, %parallel_loop3A_367, %parallel_loop3A_368] {strides = array<i32>} : memref<6x8x8x128xf32, #tpu.memory_space<vmem>>, vector<1x1x1x16xf32>,
        %parallel_loop3A_370 = vector.shape_cast %parallel_loop3A_369 : vector<1x1x1x16xf32> to vector<16xf32>
        %parallel_loop3A_371 = arith.constant 2 : i32
        %parallel_loop3A_372 = arith.index_cast %rem3A_90 : i32 to index
        %parallel_loop3A_373 = arith.index_cast %parallel_loop3A_134 : i32 to index
        %parallel_loop3A_374 = arith.index_cast %parallel_loop3A_371 : i32 to index
        %parallel_loop3A_375 = arith.constant 64 : index
        %parallel_loop3A_376 = tpu.vector_load %arg6[%parallel_loop3A_372, %parallel_loop3A_373, %parallel_loop3A_374, %parallel_loop3A_375] {strides = array<i32>} : memref<6x8x8x128xf32, #tpu.memory_space<vmem>>, vector<1x1x1x16xf32>,
        %parallel_loop3A_377 = vector.shape_cast %parallel_loop3A_376 : vector<1x1x1x16xf32> to vector<16xf32>
        %parallel_loop3A_378 = arith.constant 2 : i32
        %parallel_loop3A_379 = arith.index_cast %rem3A_90 : i32 to index
        %parallel_loop3A_380 = arith.index_cast %parallel_loop3A_134 : i32 to index
        %parallel_loop3A_381 = arith.index_cast %parallel_loop3A_378 : i32 to index
        %parallel_loop3A_382 = arith.constant 80 : index
        %parallel_loop3A_383 = tpu.vector_load %arg6[%parallel_loop3A_379, %parallel_loop3A_380, %parallel_loop3A_381, %parallel_loop3A_382] {strides = array<i32>} : memref<6x8x8x128xf32, #tpu.memory_space<vmem>>, vector<1x1x1x16xf32>,
        %parallel_loop3A_384 = vector.shape_cast %parallel_loop3A_383 : vector<1x1x1x16xf32> to vector<16xf32>
        %parallel_loop3A_385 = arith.constant 2 : i32
        %parallel_loop3A_386 = arith.index_cast %rem3A_90 : i32 to index
        %parallel_loop3A_387 = arith.index_cast %parallel_loop3A_134 : i32 to index
        %parallel_loop3A_388 = arith.index_cast %parallel_loop3A_385 : i32 to index
        %parallel_loop3A_389 = arith.constant 96 : index
        %parallel_loop3A_390 = tpu.vector_load %arg6[%parallel_loop3A_386, %parallel_loop3A_387, %parallel_loop3A_388, %parallel_loop3A_389] {strides = array<i32>} : memref<6x8x8x128xf32, #tpu.memory_space<vmem>>, vector<1x1x1x16xf32>,
        %parallel_loop3A_391 = vector.shape_cast %parallel_loop3A_390 : vector<1x1x1x16xf32> to vector<16xf32>
        %parallel_loop3A_392 = arith.constant 2 : i32
        %parallel_loop3A_393 = arith.index_cast %rem3A_90 : i32 to index
        %parallel_loop3A_394 = arith.index_cast %parallel_loop3A_134 : i32 to index
        %parallel_loop3A_395 = arith.index_cast %parallel_loop3A_392 : i32 to index
        %parallel_loop3A_396 = arith.constant 112 : index
        %parallel_loop3A_397 = tpu.vector_load %arg6[%parallel_loop3A_393, %parallel_loop3A_394, %parallel_loop3A_395, %parallel_loop3A_396] {strides = array<i32>} : memref<6x8x8x128xf32, #tpu.memory_space<vmem>>, vector<1x1x1x16xf32>,
        %parallel_loop3A_398 = vector.shape_cast %parallel_loop3A_397 : vector<1x1x1x16xf32> to vector<16xf32>
        %parallel_loop3A_399 = arith.index_cast %rem3A_92 : i32 to index
        %parallel_loop3A_400 = arith.index_cast %parallel_loop3A_134 : i32 to index
        %parallel_loop3A_401 = arith.constant 256 : index
        %parallel_loop3A_402 = tpu.vector_load %arg7[%parallel_loop3A_399, %parallel_loop3A_400, %parallel_loop3A_401] {strides = array<i32>} : memref<6x8x1024xf32, #tpu.memory_space<vmem>>, vector<1x1x16xf32>,
        %parallel_loop3A_403 = vector.shape_cast %parallel_loop3A_402 : vector<1x1x16xf32> to vector<16xf32>
        %parallel_loop3A_404 = vector.shape_cast %parallel_loop3A_349 : vector<16xf32> to vector<1x1x16xf32>
        tpu.vector_store %arg7[%parallel_loop3A_399, %parallel_loop3A_400, %parallel_loop3A_401], %parallel_loop3A_404 {strides = array<i32>} : memref<6x8x1024xf32, #tpu.memory_space<vmem>>, vector<1x1x16xf32>,
        %parallel_loop3A_405 = arith.index_cast %rem3A_92 : i32 to index
        %parallel_loop3A_406 = arith.index_cast %parallel_loop3A_134 : i32 to index
        %parallel_loop3A_407 = arith.constant 272 : index
        %parallel_loop3A_408 = tpu.vector_load %arg7[%parallel_loop3A_405, %parallel_loop3A_406, %parallel_loop3A_407] {strides = array<i32>} : memref<6x8x1024xf32, #tpu.memory_space<vmem>>, vector<1x1x16xf32>,
        %parallel_loop3A_409 = vector.shape_cast %parallel_loop3A_408 : vector<1x1x16xf32> to vector<16xf32>
        %parallel_loop3A_410 = vector.shape_cast %parallel_loop3A_356 : vector<16xf32> to vector<1x1x16xf32>
        tpu.vector_store %arg7[%parallel_loop3A_405, %parallel_loop3A_406, %parallel_loop3A_407], %parallel_loop3A_410 {strides = array<i32>} : memref<6x8x1024xf32, #tpu.memory_space<vmem>>, vector<1x1x16xf32>,
        %parallel_loop3A_411 = arith.index_cast %rem3A_92 : i32 to index
        %parallel_loop3A_412 = arith.index_cast %parallel_loop3A_134 : i32 to index
        %parallel_loop3A_413 = arith.constant 288 : index
        %parallel_loop3A_414 = tpu.vector_load %arg7[%parallel_loop3A_411, %parallel_loop3A_412, %parallel_loop3A_413] {strides = array<i32>} : memref<6x8x1024xf32, #tpu.memory_space<vmem>>, vector<1x1x16xf32>,
        %parallel_loop3A_415 = vector.shape_cast %parallel_loop3A_414 : vector<1x1x16xf32> to vector<16xf32>
        %parallel_loop3A_416 = vector.shape_cast %parallel_loop3A_363 : vector<16xf32> to vector<1x1x16xf32>
        tpu.vector_store %arg7[%parallel_loop3A_411, %parallel_loop3A_412, %parallel_loop3A_413], %parallel_loop3A_416 {strides = array<i32>} : memref<6x8x1024xf32, #tpu.memory_space<vmem>>, vector<1x1x16xf32>,
        %parallel_loop3A_417 = arith.index_cast %rem3A_92 : i32 to index
        %parallel_loop3A_418 = arith.index_cast %parallel_loop3A_134 : i32 to index
        %parallel_loop3A_419 = arith.constant 304 : index
        %parallel_loop3A_420 = tpu.vector_load %arg7[%parallel_loop3A_417, %parallel_loop3A_418, %parallel_loop3A_419] {strides = array<i32>} : memref<6x8x1024xf32, #tpu.memory_space<vmem>>, vector<1x1x16xf32>,
        %parallel_loop3A_421 = vector.shape_cast %parallel_loop3A_420 : vector<1x1x16xf32> to vector<16xf32>
        %parallel_loop3A_422 = vector.shape_cast %parallel_loop3A_370 : vector<16xf32> to vector<1x1x16xf32>
        tpu.vector_store %arg7[%parallel_loop3A_417, %parallel_loop3A_418, %parallel_loop3A_419], %parallel_loop3A_422 {strides = array<i32>} : memref<6x8x1024xf32, #tpu.memory_space<vmem>>, vector<1x1x16xf32>,
        %parallel_loop3A_423 = arith.index_cast %rem3A_92 : i32 to index
        %parallel_loop3A_424 = arith.index_cast %parallel_loop3A_134 : i32 to index
        %parallel_loop3A_425 = arith.constant 320 : index
        %parallel_loop3A_426 = tpu.vector_load %arg7[%parallel_loop3A_423, %parallel_loop3A_424, %parallel_loop3A_425] {strides = array<i32>} : memref<6x8x1024xf32, #tpu.memory_space<vmem>>, vector<1x1x16xf32>,
        %parallel_loop3A_427 = vector.shape_cast %parallel_loop3A_426 : vector<1x1x16xf32> to vector<16xf32>
        %parallel_loop3A_428 = vector.shape_cast %parallel_loop3A_377 : vector<16xf32> to vector<1x1x16xf32>
        tpu.vector_store %arg7[%parallel_loop3A_423, %parallel_loop3A_424, %parallel_loop3A_425], %parallel_loop3A_428 {strides = array<i32>} : memref<6x8x1024xf32, #tpu.memory_space<vmem>>, vector<1x1x16xf32>,
        %parallel_loop3A_429 = arith.index_cast %rem3A_92 : i32 to index
        %parallel_loop3A_430 = arith.index_cast %parallel_loop3A_134 : i32 to index
        %parallel_loop3A_431 = arith.constant 336 : index
        %parallel_loop3A_432 = tpu.vector_load %arg7[%parallel_loop3A_429, %parallel_loop3A_430, %parallel_loop3A_431] {strides = array<i32>} : memref<6x8x1024xf32, #tpu.memory_space<vmem>>, vector<1x1x16xf32>,
        %parallel_loop3A_433 = vector.shape_cast %parallel_loop3A_432 : vector<1x1x16xf32> to vector<16xf32>
        %parallel_loop3A_434 = vector.shape_cast %parallel_loop3A_384 : vector<16xf32> to vector<1x1x16xf32>
        tpu.vector_store %arg7[%parallel_loop3A_429, %parallel_loop3A_430, %parallel_loop3A_431], %parallel_loop3A_434 {strides = array<i32>} : memref<6x8x1024xf32, #tpu.memory_space<vmem>>, vector<1x1x16xf32>,
        %parallel_loop3A_435 = arith.index_cast %rem3A_92 : i32 to index
        %parallel_loop3A_436 = arith.index_cast %parallel_loop3A_134 : i32 to index
        %parallel_loop3A_437 = arith.constant 352 : index
        %parallel_loop3A_438 = tpu.vector_load %arg7[%parallel_loop3A_435, %parallel_loop3A_436, %parallel_loop3A_437] {strides = array<i32>} : memref<6x8x1024xf32, #tpu.memory_space<vmem>>, vector<1x1x16xf32>,
        %parallel_loop3A_439 = vector.shape_cast %parallel_loop3A_438 : vector<1x1x16xf32> to vector<16xf32>
        %parallel_loop3A_440 = vector.shape_cast %parallel_loop3A_391 : vector<16xf32> to vector<1x1x16xf32>
        tpu.vector_store %arg7[%parallel_loop3A_435, %parallel_loop3A_436, %parallel_loop3A_437], %parallel_loop3A_440 {strides = array<i32>} : memref<6x8x1024xf32, #tpu.memory_space<vmem>>, vector<1x1x16xf32>,
        %parallel_loop3A_441 = arith.index_cast %rem3A_92 : i32 to index
        %parallel_loop3A_442 = arith.index_cast %parallel_loop3A_134 : i32 to index
        %parallel_loop3A_443 = arith.constant 368 : index
        %parallel_loop3A_444 = tpu.vector_load %arg7[%parallel_loop3A_441, %parallel_loop3A_442, %parallel_loop3A_443] {strides = array<i32>} : memref<6x8x1024xf32, #tpu.memory_space<vmem>>, vector<1x1x16xf32>,
        %parallel_loop3A_445 = vector.shape_cast %parallel_loop3A_444 : vector<1x1x16xf32> to vector<16xf32>
        %parallel_loop3A_446 = vector.shape_cast %parallel_loop3A_398 : vector<16xf32> to vector<1x1x16xf32>
        tpu.vector_store %arg7[%parallel_loop3A_441, %parallel_loop3A_442, %parallel_loop3A_443], %parallel_loop3A_446 {strides = array<i32>} : memref<6x8x1024xf32, #tpu.memory_space<vmem>>, vector<1x1x16xf32>,
        %parallel_loop3A_447 = arith.constant 3 : i32
        %parallel_loop3A_448 = arith.index_cast %rem3A_90 : i32 to index
        %parallel_loop3A_449 = arith.index_cast %parallel_loop3A_134 : i32 to index
        %parallel_loop3A_450 = arith.index_cast %parallel_loop3A_447 : i32 to index
        %parallel_loop3A_451 = arith.constant 0 : index
        %parallel_loop3A_452 = tpu.vector_load %arg6[%parallel_loop3A_448, %parallel_loop3A_449, %parallel_loop3A_450, %parallel_loop3A_451] {strides = array<i32>} : memref<6x8x8x128xf32, #tpu.memory_space<vmem>>, vector<1x1x1x16xf32>,
        %parallel_loop3A_453 = vector.shape_cast %parallel_loop3A_452 : vector<1x1x1x16xf32> to vector<16xf32>
        %parallel_loop3A_454 = arith.constant 3 : i32
        %parallel_loop3A_455 = arith.index_cast %rem3A_90 : i32 to index
        %parallel_loop3A_456 = arith.index_cast %parallel_loop3A_134 : i32 to index
        %parallel_loop3A_457 = arith.index_cast %parallel_loop3A_454 : i32 to index
        %parallel_loop3A_458 = arith.constant 16 : index
        %parallel_loop3A_459 = tpu.vector_load %arg6[%parallel_loop3A_455, %parallel_loop3A_456, %parallel_loop3A_457, %parallel_loop3A_458] {strides = array<i32>} : memref<6x8x8x128xf32, #tpu.memory_space<vmem>>, vector<1x1x1x16xf32>,
        %parallel_loop3A_460 = vector.shape_cast %parallel_loop3A_459 : vector<1x1x1x16xf32> to vector<16xf32>
        %parallel_loop3A_461 = arith.constant 3 : i32
        %parallel_loop3A_462 = arith.index_cast %rem3A_90 : i32 to index
        %parallel_loop3A_463 = arith.index_cast %parallel_loop3A_134 : i32 to index
        %parallel_loop3A_464 = arith.index_cast %parallel_loop3A_461 : i32 to index
        %parallel_loop3A_465 = arith.constant 32 : index
        %parallel_loop3A_466 = tpu.vector_load %arg6[%parallel_loop3A_462, %parallel_loop3A_463, %parallel_loop3A_464, %parallel_loop3A_465] {strides = array<i32>} : memref<6x8x8x128xf32, #tpu.memory_space<vmem>>, vector<1x1x1x16xf32>,
        %parallel_loop3A_467 = vector.shape_cast %parallel_loop3A_466 : vector<1x1x1x16xf32> to vector<16xf32>
        %parallel_loop3A_468 = arith.constant 3 : i32
        %parallel_loop3A_469 = arith.index_cast %rem3A_90 : i32 to index
        %parallel_loop3A_470 = arith.index_cast %parallel_loop3A_134 : i32 to index
        %parallel_loop3A_471 = arith.index_cast %parallel_loop3A_468 : i32 to index
        %parallel_loop3A_472 = arith.constant 48 : index
        %parallel_loop3A_473 = tpu.vector_load %arg6[%parallel_loop3A_469, %parallel_loop3A_470, %parallel_loop3A_471, %parallel_loop3A_472] {strides = array<i32>} : memref<6x8x8x128xf32, #tpu.memory_space<vmem>>, vector<1x1x1x16xf32>,
        %parallel_loop3A_474 = vector.shape_cast %parallel_loop3A_473 : vector<1x1x1x16xf32> to vector<16xf32>
        %parallel_loop3A_475 = arith.constant 3 : i32
        %parallel_loop3A_476 = arith.index_cast %rem3A_90 : i32 to index
        %parallel_loop3A_477 = arith.index_cast %parallel_loop3A_134 : i32 to index
        %parallel_loop3A_478 = arith.index_cast %parallel_loop3A_475 : i32 to index
        %parallel_loop3A_479 = arith.constant 64 : index
        %parallel_loop3A_480 = tpu.vector_load %arg6[%parallel_loop3A_476, %parallel_loop3A_477, %parallel_loop3A_478, %parallel_loop3A_479] {strides = array<i32>} : memref<6x8x8x128xf32, #tpu.memory_space<vmem>>, vector<1x1x1x16xf32>,
        %parallel_loop3A_481 = vector.shape_cast %parallel_loop3A_480 : vector<1x1x1x16xf32> to vector<16xf32>
        %parallel_loop3A_482 = arith.constant 3 : i32
        %parallel_loop3A_483 = arith.index_cast %rem3A_90 : i32 to index
        %parallel_loop3A_484 = arith.index_cast %parallel_loop3A_134 : i32 to index
        %parallel_loop3A_485 = arith.index_cast %parallel_loop3A_482 : i32 to index
        %parallel_loop3A_486 = arith.constant 80 : index
        %parallel_loop3A_487 = tpu.vector_load %arg6[%parallel_loop3A_483, %parallel_loop3A_484, %parallel_loop3A_485, %parallel_loop3A_486] {strides = array<i32>} : memref<6x8x8x128xf32, #tpu.memory_space<vmem>>, vector<1x1x1x16xf32>,
        %parallel_loop3A_488 = vector.shape_cast %parallel_loop3A_487 : vector<1x1x1x16xf32> to vector<16xf32>
        %parallel_loop3A_489 = arith.constant 3 : i32
        %parallel_loop3A_490 = arith.index_cast %rem3A_90 : i32 to index
        %parallel_loop3A_491 = arith.index_cast %parallel_loop3A_134 : i32 to index
        %parallel_loop3A_492 = arith.index_cast %parallel_loop3A_489 : i32 to index
        %parallel_loop3A_493 = arith.constant 96 : index
        %parallel_loop3A_494 = tpu.vector_load %arg6[%parallel_loop3A_490, %parallel_loop3A_491, %parallel_loop3A_492, %parallel_loop3A_493] {strides = array<i32>} : memref<6x8x8x128xf32, #tpu.memory_space<vmem>>, vector<1x1x1x16xf32>,
        %parallel_loop3A_495 = vector.shape_cast %parallel_loop3A_494 : vector<1x1x1x16xf32> to vector<16xf32>
        %parallel_loop3A_496 = arith.constant 3 : i32
        %parallel_loop3A_497 = arith.index_cast %rem3A_90 : i32 to index
        %parallel_loop3A_498 = arith.index_cast %parallel_loop3A_134 : i32 to index
        %parallel_loop3A_499 = arith.index_cast %parallel_loop3A_496 : i32 to index
        %parallel_loop3A_500 = arith.constant 112 : index
        %parallel_loop3A_501 = tpu.vector_load %arg6[%parallel_loop3A_497, %parallel_loop3A_498, %parallel_loop3A_499, %parallel_loop3A_500] {strides = array<i32>} : memref<6x8x8x128xf32, #tpu.memory_space<vmem>>, vector<1x1x1x16xf32>,
        %parallel_loop3A_502 = vector.shape_cast %parallel_loop3A_501 : vector<1x1x1x16xf32> to vector<16xf32>
        %parallel_loop3A_503 = arith.index_cast %rem3A_92 : i32 to index
        %parallel_loop3A_504 = arith.index_cast %parallel_loop3A_134 : i32 to index
        %parallel_loop3A_505 = arith.constant 384 : index
        %parallel_loop3A_506 = tpu.vector_load %arg7[%parallel_loop3A_503, %parallel_loop3A_504, %parallel_loop3A_505] {strides = array<i32>} : memref<6x8x1024xf32, #tpu.memory_space<vmem>>, vector<1x1x16xf32>,
        %parallel_loop3A_507 = vector.shape_cast %parallel_loop3A_506 : vector<1x1x16xf32> to vector<16xf32>
        %parallel_loop3A_508 = vector.shape_cast %parallel_loop3A_453 : vector<16xf32> to vector<1x1x16xf32>
        tpu.vector_store %arg7[%parallel_loop3A_503, %parallel_loop3A_504, %parallel_loop3A_505], %parallel_loop3A_508 {strides = array<i32>} : memref<6x8x1024xf32, #tpu.memory_space<vmem>>, vector<1x1x16xf32>,
        %parallel_loop3A_509 = arith.index_cast %rem3A_92 : i32 to index
        %parallel_loop3A_510 = arith.index_cast %parallel_loop3A_134 : i32 to index
        %parallel_loop3A_511 = arith.constant 400 : index
        %parallel_loop3A_512 = tpu.vector_load %arg7[%parallel_loop3A_509, %parallel_loop3A_510, %parallel_loop3A_511] {strides = array<i32>} : memref<6x8x1024xf32, #tpu.memory_space<vmem>>, vector<1x1x16xf32>,
        %parallel_loop3A_513 = vector.shape_cast %parallel_loop3A_512 : vector<1x1x16xf32> to vector<16xf32>
        %parallel_loop3A_514 = vector.shape_cast %parallel_loop3A_460 : vector<16xf32> to vector<1x1x16xf32>
        tpu.vector_store %arg7[%parallel_loop3A_509, %parallel_loop3A_510, %parallel_loop3A_511], %parallel_loop3A_514 {strides = array<i32>} : memref<6x8x1024xf32, #tpu.memory_space<vmem>>, vector<1x1x16xf32>,
        %parallel_loop3A_515 = arith.index_cast %rem3A_92 : i32 to index
        %parallel_loop3A_516 = arith.index_cast %parallel_loop3A_134 : i32 to index
        %parallel_loop3A_517 = arith.constant 416 : index
        %parallel_loop3A_518 = tpu.vector_load %arg7[%parallel_loop3A_515, %parallel_loop3A_516, %parallel_loop3A_517] {strides = array<i32>} : memref<6x8x1024xf32, #tpu.memory_space<vmem>>, vector<1x1x16xf32>,
        %parallel_loop3A_519 = vector.shape_cast %parallel_loop3A_518 : vector<1x1x16xf32> to vector<16xf32>
        %parallel_loop3A_520 = vector.shape_cast %parallel_loop3A_467 : vector<16xf32> to vector<1x1x16xf32>
        tpu.vector_store %arg7[%parallel_loop3A_515, %parallel_loop3A_516, %parallel_loop3A_517], %parallel_loop3A_520 {strides = array<i32>} : memref<6x8x1024xf32, #tpu.memory_space<vmem>>, vector<1x1x16xf32>,
        %parallel_loop3A_521 = arith.index_cast %rem3A_92 : i32 to index
        %parallel_loop3A_522 = arith.index_cast %parallel_loop3A_134 : i32 to index
        %parallel_loop3A_523 = arith.constant 432 : index
        %parallel_loop3A_524 = tpu.vector_load %arg7[%parallel_loop3A_521, %parallel_loop3A_522, %parallel_loop3A_523] {strides = array<i32>} : memref<6x8x1024xf32, #tpu.memory_space<vmem>>, vector<1x1x16xf32>,
        %parallel_loop3A_525 = vector.shape_cast %parallel_loop3A_524 : vector<1x1x16xf32> to vector<16xf32>
        %parallel_loop3A_526 = vector.shape_cast %parallel_loop3A_474 : vector<16xf32> to vector<1x1x16xf32>
        tpu.vector_store %arg7[%parallel_loop3A_521, %parallel_loop3A_522, %parallel_loop3A_523], %parallel_loop3A_526 {strides = array<i32>} : memref<6x8x1024xf32, #tpu.memory_space<vmem>>, vector<1x1x16xf32>,
        %parallel_loop3A_527 = arith.index_cast %rem3A_92 : i32 to index
        %parallel_loop3A_528 = arith.index_cast %parallel_loop3A_134 : i32 to index
        %parallel_loop3A_529 = arith.constant 448 : index
        %parallel_loop3A_530 = tpu.vector_load %arg7[%parallel_loop3A_527, %parallel_loop3A_528, %parallel_loop3A_529] {strides = array<i32>} : memref<6x8x1024xf32, #tpu.memory_space<vmem>>, vector<1x1x16xf32>,
        %parallel_loop3A_531 = vector.shape_cast %parallel_loop3A_530 : vector<1x1x16xf32> to vector<16xf32>
        %parallel_loop3A_532 = vector.shape_cast %parallel_loop3A_481 : vector<16xf32> to vector<1x1x16xf32>
        tpu.vector_store %arg7[%parallel_loop3A_527, %parallel_loop3A_528, %parallel_loop3A_529], %parallel_loop3A_532 {strides = array<i32>} : memref<6x8x1024xf32, #tpu.memory_space<vmem>>, vector<1x1x16xf32>,
        %parallel_loop3A_533 = arith.index_cast %rem3A_92 : i32 to index
        %parallel_loop3A_534 = arith.index_cast %parallel_loop3A_134 : i32 to index
        %parallel_loop3A_535 = arith.constant 464 : index
        %parallel_loop3A_536 = tpu.vector_load %arg7[%parallel_loop3A_533, %parallel_loop3A_534, %parallel_loop3A_535] {strides = array<i32>} : memref<6x8x1024xf32, #tpu.memory_space<vmem>>, vector<1x1x16xf32>,
        %parallel_loop3A_537 = vector.shape_cast %parallel_loop3A_536 : vector<1x1x16xf32> to vector<16xf32>
        %parallel_loop3A_538 = vector.shape_cast %parallel_loop3A_488 : vector<16xf32> to vector<1x1x16xf32>
        tpu.vector_store %arg7[%parallel_loop3A_533, %parallel_loop3A_534, %parallel_loop3A_535], %parallel_loop3A_538 {strides = array<i32>} : memref<6x8x1024xf32, #tpu.memory_space<vmem>>, vector<1x1x16xf32>,
        %parallel_loop3A_539 = arith.index_cast %rem3A_92 : i32 to index
        %parallel_loop3A_540 = arith.index_cast %parallel_loop3A_134 : i32 to index
        %parallel_loop3A_541 = arith.constant 480 : index
        %parallel_loop3A_542 = tpu.vector_load %arg7[%parallel_loop3A_539, %parallel_loop3A_540, %parallel_loop3A_541] {strides = array<i32>} : memref<6x8x1024xf32, #tpu.memory_space<vmem>>, vector<1x1x16xf32>,
        %parallel_loop3A_543 = vector.shape_cast %parallel_loop3A_542 : vector<1x1x16xf32> to vector<16xf32>
        %parallel_loop3A_544 = vector.shape_cast %parallel_loop3A_495 : vector<16xf32> to vector<1x1x16xf32>
        tpu.vector_store %arg7[%parallel_loop3A_539, %parallel_loop3A_540, %parallel_loop3A_541], %parallel_loop3A_544 {strides = array<i32>} : memref<6x8x1024xf32, #tpu.memory_space<vmem>>, vector<1x1x16xf32>,
        %parallel_loop3A_545 = arith.index_cast %rem3A_92 : i32 to index
        %parallel_loop3A_546 = arith.index_cast %parallel_loop3A_134 : i32 to index
        %parallel_loop3A_547 = arith.constant 496 : index
        %parallel_loop3A_548 = tpu.vector_load %arg7[%parallel_loop3A_545, %parallel_loop3A_546, %parallel_loop3A_547] {strides = array<i32>} : memref<6x8x1024xf32, #tpu.memory_space<vmem>>, vector<1x1x16xf32>,
        %parallel_loop3A_549 = vector.shape_cast %parallel_loop3A_548 : vector<1x1x16xf32> to vector<16xf32>
        %parallel_loop3A_550 = vector.shape_cast %parallel_loop3A_502 : vector<16xf32> to vector<1x1x16xf32>
        tpu.vector_store %arg7[%parallel_loop3A_545, %parallel_loop3A_546, %parallel_loop3A_547], %parallel_loop3A_550 {strides = array<i32>} : memref<6x8x1024xf32, #tpu.memory_space<vmem>>, vector<1x1x16xf32>,
        %parallel_loop3A_551 = arith.constant 4 : i32
        %parallel_loop3A_552 = arith.index_cast %rem3A_90 : i32 to index
        %parallel_loop3A_553 = arith.index_cast %parallel_loop3A_134 : i32 to index
        %parallel_loop3A_554 = arith.index_cast %parallel_loop3A_551 : i32 to index
        %parallel_loop3A_555 = arith.constant 0 : index
        %parallel_loop3A_556 = tpu.vector_load %arg6[%parallel_loop3A_552, %parallel_loop3A_553, %parallel_loop3A_554, %parallel_loop3A_555] {strides = array<i32>} : memref<6x8x8x128xf32, #tpu.memory_space<vmem>>, vector<1x1x1x16xf32>,
        %parallel_loop3A_557 = vector.shape_cast %parallel_loop3A_556 : vector<1x1x1x16xf32> to vector<16xf32>
        %parallel_loop3A_558 = arith.constant 4 : i32
        %parallel_loop3A_559 = arith.index_cast %rem3A_90 : i32 to index
        %parallel_loop3A_560 = arith.index_cast %parallel_loop3A_134 : i32 to index
        %parallel_loop3A_561 = arith.index_cast %parallel_loop3A_558 : i32 to index
        %parallel_loop3A_562 = arith.constant 16 : index
        %parallel_loop3A_563 = tpu.vector_load %arg6[%parallel_loop3A_559, %parallel_loop3A_560, %parallel_loop3A_561, %parallel_loop3A_562] {strides = array<i32>} : memref<6x8x8x128xf32, #tpu.memory_space<vmem>>, vector<1x1x1x16xf32>,
        %parallel_loop3A_564 = vector.shape_cast %parallel_loop3A_563 : vector<1x1x1x16xf32> to vector<16xf32>
        %parallel_loop3A_565 = arith.constant 4 : i32
        %parallel_loop3A_566 = arith.index_cast %rem3A_90 : i32 to index
        %parallel_loop3A_567 = arith.index_cast %parallel_loop3A_134 : i32 to index
        %parallel_loop3A_568 = arith.index_cast %parallel_loop3A_565 : i32 to index
        %parallel_loop3A_569 = arith.constant 32 : index
        %parallel_loop3A_570 = tpu.vector_load %arg6[%parallel_loop3A_566, %parallel_loop3A_567, %parallel_loop3A_568, %parallel_loop3A_569] {strides = array<i32>} : memref<6x8x8x128xf32, #tpu.memory_space<vmem>>, vector<1x1x1x16xf32>,
        %parallel_loop3A_571 = vector.shape_cast %parallel_loop3A_570 : vector<1x1x1x16xf32> to vector<16xf32>
        %parallel_loop3A_572 = arith.constant 4 : i32
        %parallel_loop3A_573 = arith.index_cast %rem3A_90 : i32 to index
        %parallel_loop3A_574 = arith.index_cast %parallel_loop3A_134 : i32 to index
        %parallel_loop3A_575 = arith.index_cast %parallel_loop3A_572 : i32 to index
        %parallel_loop3A_576 = arith.constant 48 : index
        %parallel_loop3A_577 = tpu.vector_load %arg6[%parallel_loop3A_573, %parallel_loop3A_574, %parallel_loop3A_575, %parallel_loop3A_576] {strides = array<i32>} : memref<6x8x8x128xf32, #tpu.memory_space<vmem>>, vector<1x1x1x16xf32>,
        %parallel_loop3A_578 = vector.shape_cast %parallel_loop3A_577 : vector<1x1x1x16xf32> to vector<16xf32>
        %parallel_loop3A_579 = arith.constant 4 : i32
        %parallel_loop3A_580 = arith.index_cast %rem3A_90 : i32 to index
        %parallel_loop3A_581 = arith.index_cast %parallel_loop3A_134 : i32 to index
        %parallel_loop3A_582 = arith.index_cast %parallel_loop3A_579 : i32 to index
        %parallel_loop3A_583 = arith.constant 64 : index
        %parallel_loop3A_584 = tpu.vector_load %arg6[%parallel_loop3A_580, %parallel_loop3A_581, %parallel_loop3A_582, %parallel_loop3A_583] {strides = array<i32>} : memref<6x8x8x128xf32, #tpu.memory_space<vmem>>, vector<1x1x1x16xf32>,
        %parallel_loop3A_585 = vector.shape_cast %parallel_loop3A_584 : vector<1x1x1x16xf32> to vector<16xf32>
        %parallel_loop3A_586 = arith.constant 4 : i32
        %parallel_loop3A_587 = arith.index_cast %rem3A_90 : i32 to index
        %parallel_loop3A_588 = arith.index_cast %parallel_loop3A_134 : i32 to index
        %parallel_loop3A_589 = arith.index_cast %parallel_loop3A_586 : i32 to index
        %parallel_loop3A_590 = arith.constant 80 : index
        %parallel_loop3A_591 = tpu.vector_load %arg6[%parallel_loop3A_587, %parallel_loop3A_588, %parallel_loop3A_589, %parallel_loop3A_590] {strides = array<i32>} : memref<6x8x8x128xf32, #tpu.memory_space<vmem>>, vector<1x1x1x16xf32>,
        %parallel_loop3A_592 = vector.shape_cast %parallel_loop3A_591 : vector<1x1x1x16xf32> to vector<16xf32>
        %parallel_loop3A_593 = arith.constant 4 : i32
        %parallel_loop3A_594 = arith.index_cast %rem3A_90 : i32 to index
        %parallel_loop3A_595 = arith.index_cast %parallel_loop3A_134 : i32 to index
        %parallel_loop3A_596 = arith.index_cast %parallel_loop3A_593 : i32 to index
        %parallel_loop3A_597 = arith.constant 96 : index
        %parallel_loop3A_598 = tpu.vector_load %arg6[%parallel_loop3A_594, %parallel_loop3A_595, %parallel_loop3A_596, %parallel_loop3A_597] {strides = array<i32>} : memref<6x8x8x128xf32, #tpu.memory_space<vmem>>, vector<1x1x1x16xf32>,
        %parallel_loop3A_599 = vector.shape_cast %parallel_loop3A_598 : vector<1x1x1x16xf32> to vector<16xf32>
        %parallel_loop3A_600 = arith.constant 4 : i32
        %parallel_loop3A_601 = arith.index_cast %rem3A_90 : i32 to index
        %parallel_loop3A_602 = arith.index_cast %parallel_loop3A_134 : i32 to index
        %parallel_loop3A_603 = arith.index_cast %parallel_loop3A_600 : i32 to index
        %parallel_loop3A_604 = arith.constant 112 : index
        %parallel_loop3A_605 = tpu.vector_load %arg6[%parallel_loop3A_601, %parallel_loop3A_602, %parallel_loop3A_603, %parallel_loop3A_604] {strides = array<i32>} : memref<6x8x8x128xf32, #tpu.memory_space<vmem>>, vector<1x1x1x16xf32>,
        %parallel_loop3A_606 = vector.shape_cast %parallel_loop3A_605 : vector<1x1x1x16xf32> to vector<16xf32>
        %parallel_loop3A_607 = arith.index_cast %rem3A_92 : i32 to index
        %parallel_loop3A_608 = arith.index_cast %parallel_loop3A_134 : i32 to index
        %parallel_loop3A_609 = arith.constant 512 : index
        %parallel_loop3A_610 = tpu.vector_load %arg7[%parallel_loop3A_607, %parallel_loop3A_608, %parallel_loop3A_609] {strides = array<i32>} : memref<6x8x1024xf32, #tpu.memory_space<vmem>>, vector<1x1x16xf32>,
        %parallel_loop3A_611 = vector.shape_cast %parallel_loop3A_610 : vector<1x1x16xf32> to vector<16xf32>
        %parallel_loop3A_612 = vector.shape_cast %parallel_loop3A_557 : vector<16xf32> to vector<1x1x16xf32>
        tpu.vector_store %arg7[%parallel_loop3A_607, %parallel_loop3A_608, %parallel_loop3A_609], %parallel_loop3A_612 {strides = array<i32>} : memref<6x8x1024xf32, #tpu.memory_space<vmem>>, vector<1x1x16xf32>,
        %parallel_loop3A_613 = arith.index_cast %rem3A_92 : i32 to index
        %parallel_loop3A_614 = arith.index_cast %parallel_loop3A_134 : i32 to index
        %parallel_loop3A_615 = arith.constant 528 : index
        %parallel_loop3A_616 = tpu.vector_load %arg7[%parallel_loop3A_613, %parallel_loop3A_614, %parallel_loop3A_615] {strides = array<i32>} : memref<6x8x1024xf32, #tpu.memory_space<vmem>>, vector<1x1x16xf32>,
        %parallel_loop3A_617 = vector.shape_cast %parallel_loop3A_616 : vector<1x1x16xf32> to vector<16xf32>
        %parallel_loop3A_618 = vector.shape_cast %parallel_loop3A_564 : vector<16xf32> to vector<1x1x16xf32>
        tpu.vector_store %arg7[%parallel_loop3A_613, %parallel_loop3A_614, %parallel_loop3A_615], %parallel_loop3A_618 {strides = array<i32>} : memref<6x8x1024xf32, #tpu.memory_space<vmem>>, vector<1x1x16xf32>,
        %parallel_loop3A_619 = arith.index_cast %rem3A_92 : i32 to index
        %parallel_loop3A_620 = arith.index_cast %parallel_loop3A_134 : i32 to index
        %parallel_loop3A_621 = arith.constant 544 : index
        %parallel_loop3A_622 = tpu.vector_load %arg7[%parallel_loop3A_619, %parallel_loop3A_620, %parallel_loop3A_621] {strides = array<i32>} : memref<6x8x1024xf32, #tpu.memory_space<vmem>>, vector<1x1x16xf32>,
        %parallel_loop3A_623 = vector.shape_cast %parallel_loop3A_622 : vector<1x1x16xf32> to vector<16xf32>
        %parallel_loop3A_624 = vector.shape_cast %parallel_loop3A_571 : vector<16xf32> to vector<1x1x16xf32>
        tpu.vector_store %arg7[%parallel_loop3A_619, %parallel_loop3A_620, %parallel_loop3A_621], %parallel_loop3A_624 {strides = array<i32>} : memref<6x8x1024xf32, #tpu.memory_space<vmem>>, vector<1x1x16xf32>,
        %parallel_loop3A_625 = arith.index_cast %rem3A_92 : i32 to index
        %parallel_loop3A_626 = arith.index_cast %parallel_loop3A_134 : i32 to index
        %parallel_loop3A_627 = arith.constant 560 : index
        %parallel_loop3A_628 = tpu.vector_load %arg7[%parallel_loop3A_625, %parallel_loop3A_626, %parallel_loop3A_627] {strides = array<i32>} : memref<6x8x1024xf32, #tpu.memory_space<vmem>>, vector<1x1x16xf32>,
        %parallel_loop3A_629 = vector.shape_cast %parallel_loop3A_628 : vector<1x1x16xf32> to vector<16xf32>
        %parallel_loop3A_630 = vector.shape_cast %parallel_loop3A_578 : vector<16xf32> to vector<1x1x16xf32>
        tpu.vector_store %arg7[%parallel_loop3A_625, %parallel_loop3A_626, %parallel_loop3A_627], %parallel_loop3A_630 {strides = array<i32>} : memref<6x8x1024xf32, #tpu.memory_space<vmem>>, vector<1x1x16xf32>,
        %parallel_loop3A_631 = arith.index_cast %rem3A_92 : i32 to index
        %parallel_loop3A_632 = arith.index_cast %parallel_loop3A_134 : i32 to index
        %parallel_loop3A_633 = arith.constant 576 : index
        %parallel_loop3A_634 = tpu.vector_load %arg7[%parallel_loop3A_631, %parallel_loop3A_632, %parallel_loop3A_633] {strides = array<i32>} : memref<6x8x1024xf32, #tpu.memory_space<vmem>>, vector<1x1x16xf32>,
        %parallel_loop3A_635 = vector.shape_cast %parallel_loop3A_634 : vector<1x1x16xf32> to vector<16xf32>
        %parallel_loop3A_636 = vector.shape_cast %parallel_loop3A_585 : vector<16xf32> to vector<1x1x16xf32>
        tpu.vector_store %arg7[%parallel_loop3A_631, %parallel_loop3A_632, %parallel_loop3A_633], %parallel_loop3A_636 {strides = array<i32>} : memref<6x8x1024xf32, #tpu.memory_space<vmem>>, vector<1x1x16xf32>,
        %parallel_loop3A_637 = arith.index_cast %rem3A_92 : i32 to index
        %parallel_loop3A_638 = arith.index_cast %parallel_loop3A_134 : i32 to index
        %parallel_loop3A_639 = arith.constant 592 : index
        %parallel_loop3A_640 = tpu.vector_load %arg7[%parallel_loop3A_637, %parallel_loop3A_638, %parallel_loop3A_639] {strides = array<i32>} : memref<6x8x1024xf32, #tpu.memory_space<vmem>>, vector<1x1x16xf32>,
        %parallel_loop3A_641 = vector.shape_cast %parallel_loop3A_640 : vector<1x1x16xf32> to vector<16xf32>
        %parallel_loop3A_642 = vector.shape_cast %parallel_loop3A_592 : vector<16xf32> to vector<1x1x16xf32>
        tpu.vector_store %arg7[%parallel_loop3A_637, %parallel_loop3A_638, %parallel_loop3A_639], %parallel_loop3A_642 {strides = array<i32>} : memref<6x8x1024xf32, #tpu.memory_space<vmem>>, vector<1x1x16xf32>,
        %parallel_loop3A_643 = arith.index_cast %rem3A_92 : i32 to index
        %parallel_loop3A_644 = arith.index_cast %parallel_loop3A_134 : i32 to index
        %parallel_loop3A_645 = arith.constant 608 : index
        %parallel_loop3A_646 = tpu.vector_load %arg7[%parallel_loop3A_643, %parallel_loop3A_644, %parallel_loop3A_645] {strides = array<i32>} : memref<6x8x1024xf32, #tpu.memory_space<vmem>>, vector<1x1x16xf32>,
        %parallel_loop3A_647 = vector.shape_cast %parallel_loop3A_646 : vector<1x1x16xf32> to vector<16xf32>
        %parallel_loop3A_648 = vector.shape_cast %parallel_loop3A_599 : vector<16xf32> to vector<1x1x16xf32>
        tpu.vector_store %arg7[%parallel_loop3A_643, %parallel_loop3A_644, %parallel_loop3A_645], %parallel_loop3A_648 {strides = array<i32>} : memref<6x8x1024xf32, #tpu.memory_space<vmem>>, vector<1x1x16xf32>,
        %parallel_loop3A_649 = arith.index_cast %rem3A_92 : i32 to index
        %parallel_loop3A_650 = arith.index_cast %parallel_loop3A_134 : i32 to index
        %parallel_loop3A_651 = arith.constant 624 : index
        %parallel_loop3A_652 = tpu.vector_load %arg7[%parallel_loop3A_649, %parallel_loop3A_650, %parallel_loop3A_651] {strides = array<i32>} : memref<6x8x1024xf32, #tpu.memory_space<vmem>>, vector<1x1x16xf32>,
        %parallel_loop3A_653 = vector.shape_cast %parallel_loop3A_652 : vector<1x1x16xf32> to vector<16xf32>
        %parallel_loop3A_654 = vector.shape_cast %parallel_loop3A_606 : vector<16xf32> to vector<1x1x16xf32>
        tpu.vector_store %arg7[%parallel_loop3A_649, %parallel_loop3A_650, %parallel_loop3A_651], %parallel_loop3A_654 {strides = array<i32>} : memref<6x8x1024xf32, #tpu.memory_space<vmem>>, vector<1x1x16xf32>,
        %parallel_loop3A_655 = arith.constant 5 : i32
        %parallel_loop3A_656 = arith.index_cast %rem3A_90 : i32 to index
        %parallel_loop3A_657 = arith.index_cast %parallel_loop3A_134 : i32 to index
        %parallel_loop3A_658 = arith.index_cast %parallel_loop3A_655 : i32 to index
        %parallel_loop3A_659 = arith.constant 0 : index
        %parallel_loop3A_660 = tpu.vector_load %arg6[%parallel_loop3A_656, %parallel_loop3A_657, %parallel_loop3A_658, %parallel_loop3A_659] {strides = array<i32>} : memref<6x8x8x128xf32, #tpu.memory_space<vmem>>, vector<1x1x1x16xf32>,
        %parallel_loop3A_661 = vector.shape_cast %parallel_loop3A_660 : vector<1x1x1x16xf32> to vector<16xf32>
        %parallel_loop3A_662 = arith.constant 5 : i32
        %parallel_loop3A_663 = arith.index_cast %rem3A_90 : i32 to index
        %parallel_loop3A_664 = arith.index_cast %parallel_loop3A_134 : i32 to index
        %parallel_loop3A_665 = arith.index_cast %parallel_loop3A_662 : i32 to index
        %parallel_loop3A_666 = arith.constant 16 : index
        %parallel_loop3A_667 = tpu.vector_load %arg6[%parallel_loop3A_663, %parallel_loop3A_664, %parallel_loop3A_665, %parallel_loop3A_666] {strides = array<i32>} : memref<6x8x8x128xf32, #tpu.memory_space<vmem>>, vector<1x1x1x16xf32>,
        %parallel_loop3A_668 = vector.shape_cast %parallel_loop3A_667 : vector<1x1x1x16xf32> to vector<16xf32>
        %parallel_loop3A_669 = arith.constant 5 : i32
        %parallel_loop3A_670 = arith.index_cast %rem3A_90 : i32 to index
        %parallel_loop3A_671 = arith.index_cast %parallel_loop3A_134 : i32 to index
        %parallel_loop3A_672 = arith.index_cast %parallel_loop3A_669 : i32 to index
        %parallel_loop3A_673 = arith.constant 32 : index
        %parallel_loop3A_674 = tpu.vector_load %arg6[%parallel_loop3A_670, %parallel_loop3A_671, %parallel_loop3A_672, %parallel_loop3A_673] {strides = array<i32>} : memref<6x8x8x128xf32, #tpu.memory_space<vmem>>, vector<1x1x1x16xf32>,
        %parallel_loop3A_675 = vector.shape_cast %parallel_loop3A_674 : vector<1x1x1x16xf32> to vector<16xf32>
        %parallel_loop3A_676 = arith.constant 5 : i32
        %parallel_loop3A_677 = arith.index_cast %rem3A_90 : i32 to index
        %parallel_loop3A_678 = arith.index_cast %parallel_loop3A_134 : i32 to index
        %parallel_loop3A_679 = arith.index_cast %parallel_loop3A_676 : i32 to index
        %parallel_loop3A_680 = arith.constant 48 : index
        %parallel_loop3A_681 = tpu.vector_load %arg6[%parallel_loop3A_677, %parallel_loop3A_678, %parallel_loop3A_679, %parallel_loop3A_680] {strides = array<i32>} : memref<6x8x8x128xf32, #tpu.memory_space<vmem>>, vector<1x1x1x16xf32>,
        %parallel_loop3A_682 = vector.shape_cast %parallel_loop3A_681 : vector<1x1x1x16xf32> to vector<16xf32>
        %parallel_loop3A_683 = arith.constant 5 : i32
        %parallel_loop3A_684 = arith.index_cast %rem3A_90 : i32 to index
        %parallel_loop3A_685 = arith.index_cast %parallel_loop3A_134 : i32 to index
        %parallel_loop3A_686 = arith.index_cast %parallel_loop3A_683 : i32 to index
        %parallel_loop3A_687 = arith.constant 64 : index
        %parallel_loop3A_688 = tpu.vector_load %arg6[%parallel_loop3A_684, %parallel_loop3A_685, %parallel_loop3A_686, %parallel_loop3A_687] {strides = array<i32>} : memref<6x8x8x128xf32, #tpu.memory_space<vmem>>, vector<1x1x1x16xf32>,
        %parallel_loop3A_689 = vector.shape_cast %parallel_loop3A_688 : vector<1x1x1x16xf32> to vector<16xf32>
        %parallel_loop3A_690 = arith.constant 5 : i32
        %parallel_loop3A_691 = arith.index_cast %rem3A_90 : i32 to index
        %parallel_loop3A_692 = arith.index_cast %parallel_loop3A_134 : i32 to index
        %parallel_loop3A_693 = arith.index_cast %parallel_loop3A_690 : i32 to index
        %parallel_loop3A_694 = arith.constant 80 : index
        %parallel_loop3A_695 = tpu.vector_load %arg6[%parallel_loop3A_691, %parallel_loop3A_692, %parallel_loop3A_693, %parallel_loop3A_694] {strides = array<i32>} : memref<6x8x8x128xf32, #tpu.memory_space<vmem>>, vector<1x1x1x16xf32>,
        %parallel_loop3A_696 = vector.shape_cast %parallel_loop3A_695 : vector<1x1x1x16xf32> to vector<16xf32>
        %parallel_loop3A_697 = arith.constant 5 : i32
        %parallel_loop3A_698 = arith.index_cast %rem3A_90 : i32 to index
        %parallel_loop3A_699 = arith.index_cast %parallel_loop3A_134 : i32 to index
        %parallel_loop3A_700 = arith.index_cast %parallel_loop3A_697 : i32 to index
        %parallel_loop3A_701 = arith.constant 96 : index
        %parallel_loop3A_702 = tpu.vector_load %arg6[%parallel_loop3A_698, %parallel_loop3A_699, %parallel_loop3A_700, %parallel_loop3A_701] {strides = array<i32>} : memref<6x8x8x128xf32, #tpu.memory_space<vmem>>, vector<1x1x1x16xf32>,
        %parallel_loop3A_703 = vector.shape_cast %parallel_loop3A_702 : vector<1x1x1x16xf32> to vector<16xf32>
        %parallel_loop3A_704 = arith.constant 5 : i32
        %parallel_loop3A_705 = arith.index_cast %rem3A_90 : i32 to index
        %parallel_loop3A_706 = arith.index_cast %parallel_loop3A_134 : i32 to index
        %parallel_loop3A_707 = arith.index_cast %parallel_loop3A_704 : i32 to index
        %parallel_loop3A_708 = arith.constant 112 : index
        %parallel_loop3A_709 = tpu.vector_load %arg6[%parallel_loop3A_705, %parallel_loop3A_706, %parallel_loop3A_707, %parallel_loop3A_708] {strides = array<i32>} : memref<6x8x8x128xf32, #tpu.memory_space<vmem>>, vector<1x1x1x16xf32>,
        %parallel_loop3A_710 = vector.shape_cast %parallel_loop3A_709 : vector<1x1x1x16xf32> to vector<16xf32>
        %parallel_loop3A_711 = arith.index_cast %rem3A_92 : i32 to index
        %parallel_loop3A_712 = arith.index_cast %parallel_loop3A_134 : i32 to index
        %parallel_loop3A_713 = arith.constant 640 : index
        %parallel_loop3A_714 = tpu.vector_load %arg7[%parallel_loop3A_711, %parallel_loop3A_712, %parallel_loop3A_713] {strides = array<i32>} : memref<6x8x1024xf32, #tpu.memory_space<vmem>>, vector<1x1x16xf32>,
        %parallel_loop3A_715 = vector.shape_cast %parallel_loop3A_714 : vector<1x1x16xf32> to vector<16xf32>
        %parallel_loop3A_716 = vector.shape_cast %parallel_loop3A_661 : vector<16xf32> to vector<1x1x16xf32>
        tpu.vector_store %arg7[%parallel_loop3A_711, %parallel_loop3A_712, %parallel_loop3A_713], %parallel_loop3A_716 {strides = array<i32>} : memref<6x8x1024xf32, #tpu.memory_space<vmem>>, vector<1x1x16xf32>,
        %parallel_loop3A_717 = arith.index_cast %rem3A_92 : i32 to index
        %parallel_loop3A_718 = arith.index_cast %parallel_loop3A_134 : i32 to index
        %parallel_loop3A_719 = arith.constant 656 : index
        %parallel_loop3A_720 = tpu.vector_load %arg7[%parallel_loop3A_717, %parallel_loop3A_718, %parallel_loop3A_719] {strides = array<i32>} : memref<6x8x1024xf32, #tpu.memory_space<vmem>>, vector<1x1x16xf32>,
        %parallel_loop3A_721 = vector.shape_cast %parallel_loop3A_720 : vector<1x1x16xf32> to vector<16xf32>
        %parallel_loop3A_722 = vector.shape_cast %parallel_loop3A_668 : vector<16xf32> to vector<1x1x16xf32>
        tpu.vector_store %arg7[%parallel_loop3A_717, %parallel_loop3A_718, %parallel_loop3A_719], %parallel_loop3A_722 {strides = array<i32>} : memref<6x8x1024xf32, #tpu.memory_space<vmem>>, vector<1x1x16xf32>,
        %parallel_loop3A_723 = arith.index_cast %rem3A_92 : i32 to index
        %parallel_loop3A_724 = arith.index_cast %parallel_loop3A_134 : i32 to index
        %parallel_loop3A_725 = arith.constant 672 : index
        %parallel_loop3A_726 = tpu.vector_load %arg7[%parallel_loop3A_723, %parallel_loop3A_724, %parallel_loop3A_725] {strides = array<i32>} : memref<6x8x1024xf32, #tpu.memory_space<vmem>>, vector<1x1x16xf32>,
        %parallel_loop3A_727 = vector.shape_cast %parallel_loop3A_726 : vector<1x1x16xf32> to vector<16xf32>
        %parallel_loop3A_728 = vector.shape_cast %parallel_loop3A_675 : vector<16xf32> to vector<1x1x16xf32>
        tpu.vector_store %arg7[%parallel_loop3A_723, %parallel_loop3A_724, %parallel_loop3A_725], %parallel_loop3A_728 {strides = array<i32>} : memref<6x8x1024xf32, #tpu.memory_space<vmem>>, vector<1x1x16xf32>,
        %parallel_loop3A_729 = arith.index_cast %rem3A_92 : i32 to index
        %parallel_loop3A_730 = arith.index_cast %parallel_loop3A_134 : i32 to index
        %parallel_loop3A_731 = arith.constant 688 : index
        %parallel_loop3A_732 = tpu.vector_load %arg7[%parallel_loop3A_729, %parallel_loop3A_730, %parallel_loop3A_731] {strides = array<i32>} : memref<6x8x1024xf32, #tpu.memory_space<vmem>>, vector<1x1x16xf32>,
        %parallel_loop3A_733 = vector.shape_cast %parallel_loop3A_732 : vector<1x1x16xf32> to vector<16xf32>
        %parallel_loop3A_734 = vector.shape_cast %parallel_loop3A_682 : vector<16xf32> to vector<1x1x16xf32>
        tpu.vector_store %arg7[%parallel_loop3A_729, %parallel_loop3A_730, %parallel_loop3A_731], %parallel_loop3A_734 {strides = array<i32>} : memref<6x8x1024xf32, #tpu.memory_space<vmem>>, vector<1x1x16xf32>,
        %parallel_loop3A_735 = arith.index_cast %rem3A_92 : i32 to index
        %parallel_loop3A_736 = arith.index_cast %parallel_loop3A_134 : i32 to index
        %parallel_loop3A_737 = arith.constant 704 : index
        %parallel_loop3A_738 = tpu.vector_load %arg7[%parallel_loop3A_735, %parallel_loop3A_736, %parallel_loop3A_737] {strides = array<i32>} : memref<6x8x1024xf32, #tpu.memory_space<vmem>>, vector<1x1x16xf32>,
        %parallel_loop3A_739 = vector.shape_cast %parallel_loop3A_738 : vector<1x1x16xf32> to vector<16xf32>
        %parallel_loop3A_740 = vector.shape_cast %parallel_loop3A_689 : vector<16xf32> to vector<1x1x16xf32>
        tpu.vector_store %arg7[%parallel_loop3A_735, %parallel_loop3A_736, %parallel_loop3A_737], %parallel_loop3A_740 {strides = array<i32>} : memref<6x8x1024xf32, #tpu.memory_space<vmem>>, vector<1x1x16xf32>,
        %parallel_loop3A_741 = arith.index_cast %rem3A_92 : i32 to index
        %parallel_loop3A_742 = arith.index_cast %parallel_loop3A_134 : i32 to index
        %parallel_loop3A_743 = arith.constant 720 : index
        %parallel_loop3A_744 = tpu.vector_load %arg7[%parallel_loop3A_741, %parallel_loop3A_742, %parallel_loop3A_743] {strides = array<i32>} : memref<6x8x1024xf32, #tpu.memory_space<vmem>>, vector<1x1x16xf32>,
        %parallel_loop3A_745 = vector.shape_cast %parallel_loop3A_744 : vector<1x1x16xf32> to vector<16xf32>
        %parallel_loop3A_746 = vector.shape_cast %parallel_loop3A_696 : vector<16xf32> to vector<1x1x16xf32>
        tpu.vector_store %arg7[%parallel_loop3A_741, %parallel_loop3A_742, %parallel_loop3A_743], %parallel_loop3A_746 {strides = array<i32>} : memref<6x8x1024xf32, #tpu.memory_space<vmem>>, vector<1x1x16xf32>,
        %parallel_loop3A_747 = arith.index_cast %rem3A_92 : i32 to index
        %parallel_loop3A_748 = arith.index_cast %parallel_loop3A_134 : i32 to index
        %parallel_loop3A_749 = arith.constant 736 : index
        %parallel_loop3A_750 = tpu.vector_load %arg7[%parallel_loop3A_747, %parallel_loop3A_748, %parallel_loop3A_749] {strides = array<i32>} : memref<6x8x1024xf32, #tpu.memory_space<vmem>>, vector<1x1x16xf32>,
        %parallel_loop3A_751 = vector.shape_cast %parallel_loop3A_750 : vector<1x1x16xf32> to vector<16xf32>
        %parallel_loop3A_752 = vector.shape_cast %parallel_loop3A_703 : vector<16xf32> to vector<1x1x16xf32>
        tpu.vector_store %arg7[%parallel_loop3A_747, %parallel_loop3A_748, %parallel_loop3A_749], %parallel_loop3A_752 {strides = array<i32>} : memref<6x8x1024xf32, #tpu.memory_space<vmem>>, vector<1x1x16xf32>,
        %parallel_loop3A_753 = arith.index_cast %rem3A_92 : i32 to index
        %parallel_loop3A_754 = arith.index_cast %parallel_loop3A_134 : i32 to index
        %parallel_loop3A_755 = arith.constant 752 : index
        %parallel_loop3A_756 = tpu.vector_load %arg7[%parallel_loop3A_753, %parallel_loop3A_754, %parallel_loop3A_755] {strides = array<i32>} : memref<6x8x1024xf32, #tpu.memory_space<vmem>>, vector<1x1x16xf32>,
        %parallel_loop3A_757 = vector.shape_cast %parallel_loop3A_756 : vector<1x1x16xf32> to vector<16xf32>
        %parallel_loop3A_758 = vector.shape_cast %parallel_loop3A_710 : vector<16xf32> to vector<1x1x16xf32>
        tpu.vector_store %arg7[%parallel_loop3A_753, %parallel_loop3A_754, %parallel_loop3A_755], %parallel_loop3A_758 {strides = array<i32>} : memref<6x8x1024xf32, #tpu.memory_space<vmem>>, vector<1x1x16xf32>,
        %parallel_loop3A_759 = arith.constant 6 : i32
        %parallel_loop3A_760 = arith.index_cast %rem3A_90 : i32 to index
        %parallel_loop3A_761 = arith.index_cast %parallel_loop3A_134 : i32 to index
        %parallel_loop3A_762 = arith.index_cast %parallel_loop3A_759 : i32 to index
        %parallel_loop3A_763 = arith.constant 0 : index
        %parallel_loop3A_764 = tpu.vector_load %arg6[%parallel_loop3A_760, %parallel_loop3A_761, %parallel_loop3A_762, %parallel_loop3A_763] {strides = array<i32>} : memref<6x8x8x128xf32, #tpu.memory_space<vmem>>, vector<1x1x1x16xf32>,
        %parallel_loop3A_765 = vector.shape_cast %parallel_loop3A_764 : vector<1x1x1x16xf32> to vector<16xf32>
        %parallel_loop3A_766 = arith.constant 6 : i32
        %parallel_loop3A_767 = arith.index_cast %rem3A_90 : i32 to index
        %parallel_loop3A_768 = arith.index_cast %parallel_loop3A_134 : i32 to index
        %parallel_loop3A_769 = arith.index_cast %parallel_loop3A_766 : i32 to index
        %parallel_loop3A_770 = arith.constant 16 : index
        %parallel_loop3A_771 = tpu.vector_load %arg6[%parallel_loop3A_767, %parallel_loop3A_768, %parallel_loop3A_769, %parallel_loop3A_770] {strides = array<i32>} : memref<6x8x8x128xf32, #tpu.memory_space<vmem>>, vector<1x1x1x16xf32>,
        %parallel_loop3A_772 = vector.shape_cast %parallel_loop3A_771 : vector<1x1x1x16xf32> to vector<16xf32>
        %parallel_loop3A_773 = arith.constant 6 : i32
        %parallel_loop3A_774 = arith.index_cast %rem3A_90 : i32 to index
        %parallel_loop3A_775 = arith.index_cast %parallel_loop3A_134 : i32 to index
        %parallel_loop3A_776 = arith.index_cast %parallel_loop3A_773 : i32 to index
        %parallel_loop3A_777 = arith.constant 32 : index
        %parallel_loop3A_778 = tpu.vector_load %arg6[%parallel_loop3A_774, %parallel_loop3A_775, %parallel_loop3A_776, %parallel_loop3A_777] {strides = array<i32>} : memref<6x8x8x128xf32, #tpu.memory_space<vmem>>, vector<1x1x1x16xf32>,
        %parallel_loop3A_779 = vector.shape_cast %parallel_loop3A_778 : vector<1x1x1x16xf32> to vector<16xf32>
        %parallel_loop3A_780 = arith.constant 6 : i32
        %parallel_loop3A_781 = arith.index_cast %rem3A_90 : i32 to index
        %parallel_loop3A_782 = arith.index_cast %parallel_loop3A_134 : i32 to index
        %parallel_loop3A_783 = arith.index_cast %parallel_loop3A_780 : i32 to index
        %parallel_loop3A_784 = arith.constant 48 : index
        %parallel_loop3A_785 = tpu.vector_load %arg6[%parallel_loop3A_781, %parallel_loop3A_782, %parallel_loop3A_783, %parallel_loop3A_784] {strides = array<i32>} : memref<6x8x8x128xf32, #tpu.memory_space<vmem>>, vector<1x1x1x16xf32>,
        %parallel_loop3A_786 = vector.shape_cast %parallel_loop3A_785 : vector<1x1x1x16xf32> to vector<16xf32>
        %parallel_loop3A_787 = arith.constant 6 : i32
        %parallel_loop3A_788 = arith.index_cast %rem3A_90 : i32 to index
        %parallel_loop3A_789 = arith.index_cast %parallel_loop3A_134 : i32 to index
        %parallel_loop3A_790 = arith.index_cast %parallel_loop3A_787 : i32 to index
        %parallel_loop3A_791 = arith.constant 64 : index
        %parallel_loop3A_792 = tpu.vector_load %arg6[%parallel_loop3A_788, %parallel_loop3A_789, %parallel_loop3A_790, %parallel_loop3A_791] {strides = array<i32>} : memref<6x8x8x128xf32, #tpu.memory_space<vmem>>, vector<1x1x1x16xf32>,
        %parallel_loop3A_793 = vector.shape_cast %parallel_loop3A_792 : vector<1x1x1x16xf32> to vector<16xf32>
        %parallel_loop3A_794 = arith.constant 6 : i32
        %parallel_loop3A_795 = arith.index_cast %rem3A_90 : i32 to index
        %parallel_loop3A_796 = arith.index_cast %parallel_loop3A_134 : i32 to index
        %parallel_loop3A_797 = arith.index_cast %parallel_loop3A_794 : i32 to index
        %parallel_loop3A_798 = arith.constant 80 : index
        %parallel_loop3A_799 = tpu.vector_load %arg6[%parallel_loop3A_795, %parallel_loop3A_796, %parallel_loop3A_797, %parallel_loop3A_798] {strides = array<i32>} : memref<6x8x8x128xf32, #tpu.memory_space<vmem>>, vector<1x1x1x16xf32>,
        %parallel_loop3A_800 = vector.shape_cast %parallel_loop3A_799 : vector<1x1x1x16xf32> to vector<16xf32>
        %parallel_loop3A_801 = arith.constant 6 : i32
        %parallel_loop3A_802 = arith.index_cast %rem3A_90 : i32 to index
        %parallel_loop3A_803 = arith.index_cast %parallel_loop3A_134 : i32 to index
        %parallel_loop3A_804 = arith.index_cast %parallel_loop3A_801 : i32 to index
        %parallel_loop3A_805 = arith.constant 96 : index
        %parallel_loop3A_806 = tpu.vector_load %arg6[%parallel_loop3A_802, %parallel_loop3A_803, %parallel_loop3A_804, %parallel_loop3A_805] {strides = array<i32>} : memref<6x8x8x128xf32, #tpu.memory_space<vmem>>, vector<1x1x1x16xf32>,
        %parallel_loop3A_807 = vector.shape_cast %parallel_loop3A_806 : vector<1x1x1x16xf32> to vector<16xf32>
        %parallel_loop3A_808 = arith.constant 6 : i32
        %parallel_loop3A_809 = arith.index_cast %rem3A_90 : i32 to index
        %parallel_loop3A_810 = arith.index_cast %parallel_loop3A_134 : i32 to index
        %parallel_loop3A_811 = arith.index_cast %parallel_loop3A_808 : i32 to index
        %parallel_loop3A_812 = arith.constant 112 : index
        %parallel_loop3A_813 = tpu.vector_load %arg6[%parallel_loop3A_809, %parallel_loop3A_810, %parallel_loop3A_811, %parallel_loop3A_812] {strides = array<i32>} : memref<6x8x8x128xf32, #tpu.memory_space<vmem>>, vector<1x1x1x16xf32>,
        %parallel_loop3A_814 = vector.shape_cast %parallel_loop3A_813 : vector<1x1x1x16xf32> to vector<16xf32>
        %parallel_loop3A_815 = arith.index_cast %rem3A_92 : i32 to index
        %parallel_loop3A_816 = arith.index_cast %parallel_loop3A_134 : i32 to index
        %parallel_loop3A_817 = arith.constant 768 : index
        %parallel_loop3A_818 = tpu.vector_load %arg7[%parallel_loop3A_815, %parallel_loop3A_816, %parallel_loop3A_817] {strides = array<i32>} : memref<6x8x1024xf32, #tpu.memory_space<vmem>>, vector<1x1x16xf32>,
        %parallel_loop3A_819 = vector.shape_cast %parallel_loop3A_818 : vector<1x1x16xf32> to vector<16xf32>
        %parallel_loop3A_820 = vector.shape_cast %parallel_loop3A_765 : vector<16xf32> to vector<1x1x16xf32>
        tpu.vector_store %arg7[%parallel_loop3A_815, %parallel_loop3A_816, %parallel_loop3A_817], %parallel_loop3A_820 {strides = array<i32>} : memref<6x8x1024xf32, #tpu.memory_space<vmem>>, vector<1x1x16xf32>,
        %parallel_loop3A_821 = arith.index_cast %rem3A_92 : i32 to index
        %parallel_loop3A_822 = arith.index_cast %parallel_loop3A_134 : i32 to index
        %parallel_loop3A_823 = arith.constant 784 : index
        %parallel_loop3A_824 = tpu.vector_load %arg7[%parallel_loop3A_821, %parallel_loop3A_822, %parallel_loop3A_823] {strides = array<i32>} : memref<6x8x1024xf32, #tpu.memory_space<vmem>>, vector<1x1x16xf32>,
        %parallel_loop3A_825 = vector.shape_cast %parallel_loop3A_824 : vector<1x1x16xf32> to vector<16xf32>
        %parallel_loop3A_826 = vector.shape_cast %parallel_loop3A_772 : vector<16xf32> to vector<1x1x16xf32>
        tpu.vector_store %arg7[%parallel_loop3A_821, %parallel_loop3A_822, %parallel_loop3A_823], %parallel_loop3A_826 {strides = array<i32>} : memref<6x8x1024xf32, #tpu.memory_space<vmem>>, vector<1x1x16xf32>,
        %parallel_loop3A_827 = arith.index_cast %rem3A_92 : i32 to index
        %parallel_loop3A_828 = arith.index_cast %parallel_loop3A_134 : i32 to index
        %parallel_loop3A_829 = arith.constant 800 : index
        %parallel_loop3A_830 = tpu.vector_load %arg7[%parallel_loop3A_827, %parallel_loop3A_828, %parallel_loop3A_829] {strides = array<i32>} : memref<6x8x1024xf32, #tpu.memory_space<vmem>>, vector<1x1x16xf32>,
        %parallel_loop3A_831 = vector.shape_cast %parallel_loop3A_830 : vector<1x1x16xf32> to vector<16xf32>
        %parallel_loop3A_832 = vector.shape_cast %parallel_loop3A_779 : vector<16xf32> to vector<1x1x16xf32>
        tpu.vector_store %arg7[%parallel_loop3A_827, %parallel_loop3A_828, %parallel_loop3A_829], %parallel_loop3A_832 {strides = array<i32>} : memref<6x8x1024xf32, #tpu.memory_space<vmem>>, vector<1x1x16xf32>,
        %parallel_loop3A_833 = arith.index_cast %rem3A_92 : i32 to index
        %parallel_loop3A_834 = arith.index_cast %parallel_loop3A_134 : i32 to index
        %parallel_loop3A_835 = arith.constant 816 : index
        %parallel_loop3A_836 = tpu.vector_load %arg7[%parallel_loop3A_833, %parallel_loop3A_834, %parallel_loop3A_835] {strides = array<i32>} : memref<6x8x1024xf32, #tpu.memory_space<vmem>>, vector<1x1x16xf32>,
        %parallel_loop3A_837 = vector.shape_cast %parallel_loop3A_836 : vector<1x1x16xf32> to vector<16xf32>
        %parallel_loop3A_838 = vector.shape_cast %parallel_loop3A_786 : vector<16xf32> to vector<1x1x16xf32>
        tpu.vector_store %arg7[%parallel_loop3A_833, %parallel_loop3A_834, %parallel_loop3A_835], %parallel_loop3A_838 {strides = array<i32>} : memref<6x8x1024xf32, #tpu.memory_space<vmem>>, vector<1x1x16xf32>,
        %parallel_loop3A_839 = arith.index_cast %rem3A_92 : i32 to index
        %parallel_loop3A_840 = arith.index_cast %parallel_loop3A_134 : i32 to index
        %parallel_loop3A_841 = arith.constant 832 : index
        %parallel_loop3A_842 = tpu.vector_load %arg7[%parallel_loop3A_839, %parallel_loop3A_840, %parallel_loop3A_841] {strides = array<i32>} : memref<6x8x1024xf32, #tpu.memory_space<vmem>>, vector<1x1x16xf32>,
        %parallel_loop3A_843 = vector.shape_cast %parallel_loop3A_842 : vector<1x1x16xf32> to vector<16xf32>
        %parallel_loop3A_844 = vector.shape_cast %parallel_loop3A_793 : vector<16xf32> to vector<1x1x16xf32>
        tpu.vector_store %arg7[%parallel_loop3A_839, %parallel_loop3A_840, %parallel_loop3A_841], %parallel_loop3A_844 {strides = array<i32>} : memref<6x8x1024xf32, #tpu.memory_space<vmem>>, vector<1x1x16xf32>,
        %parallel_loop3A_845 = arith.index_cast %rem3A_92 : i32 to index
        %parallel_loop3A_846 = arith.index_cast %parallel_loop3A_134 : i32 to index
        %parallel_loop3A_847 = arith.constant 848 : index
        %parallel_loop3A_848 = tpu.vector_load %arg7[%parallel_loop3A_845, %parallel_loop3A_846, %parallel_loop3A_847] {strides = array<i32>} : memref<6x8x1024xf32, #tpu.memory_space<vmem>>, vector<1x1x16xf32>,
        %parallel_loop3A_849 = vector.shape_cast %parallel_loop3A_848 : vector<1x1x16xf32> to vector<16xf32>
        %parallel_loop3A_850 = vector.shape_cast %parallel_loop3A_800 : vector<16xf32> to vector<1x1x16xf32>
        tpu.vector_store %arg7[%parallel_loop3A_845, %parallel_loop3A_846, %parallel_loop3A_847], %parallel_loop3A_850 {strides = array<i32>} : memref<6x8x1024xf32, #tpu.memory_space<vmem>>, vector<1x1x16xf32>,
        %parallel_loop3A_851 = arith.index_cast %rem3A_92 : i32 to index
        %parallel_loop3A_852 = arith.index_cast %parallel_loop3A_134 : i32 to index
        %parallel_loop3A_853 = arith.constant 864 : index
        %parallel_loop3A_854 = tpu.vector_load %arg7[%parallel_loop3A_851, %parallel_loop3A_852, %parallel_loop3A_853] {strides = array<i32>} : memref<6x8x1024xf32, #tpu.memory_space<vmem>>, vector<1x1x16xf32>,
        %parallel_loop3A_855 = vector.shape_cast %parallel_loop3A_854 : vector<1x1x16xf32> to vector<16xf32>
        %parallel_loop3A_856 = vector.shape_cast %parallel_loop3A_807 : vector<16xf32> to vector<1x1x16xf32>
        tpu.vector_store %arg7[%parallel_loop3A_851, %parallel_loop3A_852, %parallel_loop3A_853], %parallel_loop3A_856 {strides = array<i32>} : memref<6x8x1024xf32, #tpu.memory_space<vmem>>, vector<1x1x16xf32>,
        %parallel_loop3A_857 = arith.index_cast %rem3A_92 : i32 to index
        %parallel_loop3A_858 = arith.index_cast %parallel_loop3A_134 : i32 to index
        %parallel_loop3A_859 = arith.constant 880 : index
        %parallel_loop3A_860 = tpu.vector_load %arg7[%parallel_loop3A_857, %parallel_loop3A_858, %parallel_loop3A_859] {strides = array<i32>} : memref<6x8x1024xf32, #tpu.memory_space<vmem>>, vector<1x1x16xf32>,
        %parallel_loop3A_861 = vector.shape_cast %parallel_loop3A_860 : vector<1x1x16xf32> to vector<16xf32>
        %parallel_loop3A_862 = vector.shape_cast %parallel_loop3A_814 : vector<16xf32> to vector<1x1x16xf32>
        tpu.vector_store %arg7[%parallel_loop3A_857, %parallel_loop3A_858, %parallel_loop3A_859], %parallel_loop3A_862 {strides = array<i32>} : memref<6x8x1024xf32, #tpu.memory_space<vmem>>, vector<1x1x16xf32>,
        %parallel_loop3A_863 = arith.constant 7 : i32
        %parallel_loop3A_864 = arith.index_cast %rem3A_90 : i32 to index
        %parallel_loop3A_865 = arith.index_cast %parallel_loop3A_134 : i32 to index
        %parallel_loop3A_866 = arith.index_cast %parallel_loop3A_863 : i32 to index
        %parallel_loop3A_867 = arith.constant 0 : index
        %parallel_loop3A_868 = tpu.vector_load %arg6[%parallel_loop3A_864, %parallel_loop3A_865, %parallel_loop3A_866, %parallel_loop3A_867] {strides = array<i32>} : memref<6x8x8x128xf32, #tpu.memory_space<vmem>>, vector<1x1x1x16xf32>,
        %parallel_loop3A_869 = vector.shape_cast %parallel_loop3A_868 : vector<1x1x1x16xf32> to vector<16xf32>
        %parallel_loop3A_870 = arith.constant 7 : i32
        %parallel_loop3A_871 = arith.index_cast %rem3A_90 : i32 to index
        %parallel_loop3A_872 = arith.index_cast %parallel_loop3A_134 : i32 to index
        %parallel_loop3A_873 = arith.index_cast %parallel_loop3A_870 : i32 to index
        %parallel_loop3A_874 = arith.constant 16 : index
        %parallel_loop3A_875 = tpu.vector_load %arg6[%parallel_loop3A_871, %parallel_loop3A_872, %parallel_loop3A_873, %parallel_loop3A_874] {strides = array<i32>} : memref<6x8x8x128xf32, #tpu.memory_space<vmem>>, vector<1x1x1x16xf32>,
        %parallel_loop3A_876 = vector.shape_cast %parallel_loop3A_875 : vector<1x1x1x16xf32> to vector<16xf32>
        %parallel_loop3A_877 = arith.constant 7 : i32
        %parallel_loop3A_878 = arith.index_cast %rem3A_90 : i32 to index
        %parallel_loop3A_879 = arith.index_cast %parallel_loop3A_134 : i32 to index
        %parallel_loop3A_880 = arith.index_cast %parallel_loop3A_877 : i32 to index
        %parallel_loop3A_881 = arith.constant 32 : index
        %parallel_loop3A_882 = tpu.vector_load %arg6[%parallel_loop3A_878, %parallel_loop3A_879, %parallel_loop3A_880, %parallel_loop3A_881] {strides = array<i32>} : memref<6x8x8x128xf32, #tpu.memory_space<vmem>>, vector<1x1x1x16xf32>,
        %parallel_loop3A_883 = vector.shape_cast %parallel_loop3A_882 : vector<1x1x1x16xf32> to vector<16xf32>
        %parallel_loop3A_884 = arith.constant 7 : i32
        %parallel_loop3A_885 = arith.index_cast %rem3A_90 : i32 to index
        %parallel_loop3A_886 = arith.index_cast %parallel_loop3A_134 : i32 to index
        %parallel_loop3A_887 = arith.index_cast %parallel_loop3A_884 : i32 to index
        %parallel_loop3A_888 = arith.constant 48 : index
        %parallel_loop3A_889 = tpu.vector_load %arg6[%parallel_loop3A_885, %parallel_loop3A_886, %parallel_loop3A_887, %parallel_loop3A_888] {strides = array<i32>} : memref<6x8x8x128xf32, #tpu.memory_space<vmem>>, vector<1x1x1x16xf32>,
        %parallel_loop3A_890 = vector.shape_cast %parallel_loop3A_889 : vector<1x1x1x16xf32> to vector<16xf32>
        %parallel_loop3A_891 = arith.constant 7 : i32
        %parallel_loop3A_892 = arith.index_cast %rem3A_90 : i32 to index
        %parallel_loop3A_893 = arith.index_cast %parallel_loop3A_134 : i32 to index
        %parallel_loop3A_894 = arith.index_cast %parallel_loop3A_891 : i32 to index
        %parallel_loop3A_895 = arith.constant 64 : index
        %parallel_loop3A_896 = tpu.vector_load %arg6[%parallel_loop3A_892, %parallel_loop3A_893, %parallel_loop3A_894, %parallel_loop3A_895] {strides = array<i32>} : memref<6x8x8x128xf32, #tpu.memory_space<vmem>>, vector<1x1x1x16xf32>,
        %parallel_loop3A_897 = vector.shape_cast %parallel_loop3A_896 : vector<1x1x1x16xf32> to vector<16xf32>
        %parallel_loop3A_898 = arith.constant 7 : i32
        %parallel_loop3A_899 = arith.index_cast %rem3A_90 : i32 to index
        %parallel_loop3A_900 = arith.index_cast %parallel_loop3A_134 : i32 to index
        %parallel_loop3A_901 = arith.index_cast %parallel_loop3A_898 : i32 to index
        %parallel_loop3A_902 = arith.constant 80 : index
        %parallel_loop3A_903 = tpu.vector_load %arg6[%parallel_loop3A_899, %parallel_loop3A_900, %parallel_loop3A_901, %parallel_loop3A_902] {strides = array<i32>} : memref<6x8x8x128xf32, #tpu.memory_space<vmem>>, vector<1x1x1x16xf32>,
        %parallel_loop3A_904 = vector.shape_cast %parallel_loop3A_903 : vector<1x1x1x16xf32> to vector<16xf32>
        %parallel_loop3A_905 = arith.constant 7 : i32
        %parallel_loop3A_906 = arith.index_cast %rem3A_90 : i32 to index
        %parallel_loop3A_907 = arith.index_cast %parallel_loop3A_134 : i32 to index
        %parallel_loop3A_908 = arith.index_cast %parallel_loop3A_905 : i32 to index
        %parallel_loop3A_909 = arith.constant 96 : index
        %parallel_loop3A_910 = tpu.vector_load %arg6[%parallel_loop3A_906, %parallel_loop3A_907, %parallel_loop3A_908, %parallel_loop3A_909] {strides = array<i32>} : memref<6x8x8x128xf32, #tpu.memory_space<vmem>>, vector<1x1x1x16xf32>,
        %parallel_loop3A_911 = vector.shape_cast %parallel_loop3A_910 : vector<1x1x1x16xf32> to vector<16xf32>
        %parallel_loop3A_912 = arith.constant 7 : i32
        %parallel_loop3A_913 = arith.index_cast %rem3A_90 : i32 to index
        %parallel_loop3A_914 = arith.index_cast %parallel_loop3A_134 : i32 to index
        %parallel_loop3A_915 = arith.index_cast %parallel_loop3A_912 : i32 to index
        %parallel_loop3A_916 = arith.constant 112 : index
        %parallel_loop3A_917 = tpu.vector_load %arg6[%parallel_loop3A_913, %parallel_loop3A_914, %parallel_loop3A_915, %parallel_loop3A_916] {strides = array<i32>} : memref<6x8x8x128xf32, #tpu.memory_space<vmem>>, vector<1x1x1x16xf32>,
        %parallel_loop3A_918 = vector.shape_cast %parallel_loop3A_917 : vector<1x1x1x16xf32> to vector<16xf32>
        %parallel_loop3A_919 = arith.index_cast %rem3A_92 : i32 to index
        %parallel_loop3A_920 = arith.index_cast %parallel_loop3A_134 : i32 to index
        %parallel_loop3A_921 = arith.constant 896 : index
        %parallel_loop3A_922 = tpu.vector_load %arg7[%parallel_loop3A_919, %parallel_loop3A_920, %parallel_loop3A_921] {strides = array<i32>} : memref<6x8x1024xf32, #tpu.memory_space<vmem>>, vector<1x1x16xf32>,
        %parallel_loop3A_923 = vector.shape_cast %parallel_loop3A_922 : vector<1x1x16xf32> to vector<16xf32>
        %parallel_loop3A_924 = vector.shape_cast %parallel_loop3A_869 : vector<16xf32> to vector<1x1x16xf32>
        tpu.vector_store %arg7[%parallel_loop3A_919, %parallel_loop3A_920, %parallel_loop3A_921], %parallel_loop3A_924 {strides = array<i32>} : memref<6x8x1024xf32, #tpu.memory_space<vmem>>, vector<1x1x16xf32>,
        %parallel_loop3A_925 = arith.index_cast %rem3A_92 : i32 to index
        %parallel_loop3A_926 = arith.index_cast %parallel_loop3A_134 : i32 to index
        %parallel_loop3A_927 = arith.constant 912 : index
        %parallel_loop3A_928 = tpu.vector_load %arg7[%parallel_loop3A_925, %parallel_loop3A_926, %parallel_loop3A_927] {strides = array<i32>} : memref<6x8x1024xf32, #tpu.memory_space<vmem>>, vector<1x1x16xf32>,
        %parallel_loop3A_929 = vector.shape_cast %parallel_loop3A_928 : vector<1x1x16xf32> to vector<16xf32>
        %parallel_loop3A_930 = vector.shape_cast %parallel_loop3A_876 : vector<16xf32> to vector<1x1x16xf32>
        tpu.vector_store %arg7[%parallel_loop3A_925, %parallel_loop3A_926, %parallel_loop3A_927], %parallel_loop3A_930 {strides = array<i32>} : memref<6x8x1024xf32, #tpu.memory_space<vmem>>, vector<1x1x16xf32>,
        %parallel_loop3A_931 = arith.index_cast %rem3A_92 : i32 to index
        %parallel_loop3A_932 = arith.index_cast %parallel_loop3A_134 : i32 to index
        %parallel_loop3A_933 = arith.constant 928 : index
        %parallel_loop3A_934 = tpu.vector_load %arg7[%parallel_loop3A_931, %parallel_loop3A_932, %parallel_loop3A_933] {strides = array<i32>} : memref<6x8x1024xf32, #tpu.memory_space<vmem>>, vector<1x1x16xf32>,
        %parallel_loop3A_935 = vector.shape_cast %parallel_loop3A_934 : vector<1x1x16xf32> to vector<16xf32>
        %parallel_loop3A_936 = vector.shape_cast %parallel_loop3A_883 : vector<16xf32> to vector<1x1x16xf32>
        tpu.vector_store %arg7[%parallel_loop3A_931, %parallel_loop3A_932, %parallel_loop3A_933], %parallel_loop3A_936 {strides = array<i32>} : memref<6x8x1024xf32, #tpu.memory_space<vmem>>, vector<1x1x16xf32>,
        %parallel_loop3A_937 = arith.index_cast %rem3A_92 : i32 to index
        %parallel_loop3A_938 = arith.index_cast %parallel_loop3A_134 : i32 to index
        %parallel_loop3A_939 = arith.constant 944 : index
        %parallel_loop3A_940 = tpu.vector_load %arg7[%parallel_loop3A_937, %parallel_loop3A_938, %parallel_loop3A_939] {strides = array<i32>} : memref<6x8x1024xf32, #tpu.memory_space<vmem>>, vector<1x1x16xf32>,
        %parallel_loop3A_941 = vector.shape_cast %parallel_loop3A_940 : vector<1x1x16xf32> to vector<16xf32>
        %parallel_loop3A_942 = vector.shape_cast %parallel_loop3A_890 : vector<16xf32> to vector<1x1x16xf32>
        tpu.vector_store %arg7[%parallel_loop3A_937, %parallel_loop3A_938, %parallel_loop3A_939], %parallel_loop3A_942 {strides = array<i32>} : memref<6x8x1024xf32, #tpu.memory_space<vmem>>, vector<1x1x16xf32>,
        %parallel_loop3A_943 = arith.index_cast %rem3A_92 : i32 to index
        %parallel_loop3A_944 = arith.index_cast %parallel_loop3A_134 : i32 to index
        %parallel_loop3A_945 = arith.constant 960 : index
        %parallel_loop3A_946 = tpu.vector_load %arg7[%parallel_loop3A_943, %parallel_loop3A_944, %parallel_loop3A_945] {strides = array<i32>} : memref<6x8x1024xf32, #tpu.memory_space<vmem>>, vector<1x1x16xf32>,
        %parallel_loop3A_947 = vector.shape_cast %parallel_loop3A_946 : vector<1x1x16xf32> to vector<16xf32>
        %parallel_loop3A_948 = vector.shape_cast %parallel_loop3A_897 : vector<16xf32> to vector<1x1x16xf32>
        tpu.vector_store %arg7[%parallel_loop3A_943, %parallel_loop3A_944, %parallel_loop3A_945], %parallel_loop3A_948 {strides = array<i32>} : memref<6x8x1024xf32, #tpu.memory_space<vmem>>, vector<1x1x16xf32>,
        %parallel_loop3A_949 = arith.index_cast %rem3A_92 : i32 to index
        %parallel_loop3A_950 = arith.index_cast %parallel_loop3A_134 : i32 to index
        %parallel_loop3A_951 = arith.constant 976 : index
        %parallel_loop3A_952 = tpu.vector_load %arg7[%parallel_loop3A_949, %parallel_loop3A_950, %parallel_loop3A_951] {strides = array<i32>} : memref<6x8x1024xf32, #tpu.memory_space<vmem>>, vector<1x1x16xf32>,
        %parallel_loop3A_953 = vector.shape_cast %parallel_loop3A_952 : vector<1x1x16xf32> to vector<16xf32>
        %parallel_loop3A_954 = vector.shape_cast %parallel_loop3A_904 : vector<16xf32> to vector<1x1x16xf32>
        tpu.vector_store %arg7[%parallel_loop3A_949, %parallel_loop3A_950, %parallel_loop3A_951], %parallel_loop3A_954 {strides = array<i32>} : memref<6x8x1024xf32, #tpu.memory_space<vmem>>, vector<1x1x16xf32>,
        %parallel_loop3A_955 = arith.index_cast %rem3A_92 : i32 to index
        %parallel_loop3A_956 = arith.index_cast %parallel_loop3A_134 : i32 to index
        %parallel_loop3A_957 = arith.constant 992 : index
        %parallel_loop3A_958 = tpu.vector_load %arg7[%parallel_loop3A_955, %parallel_loop3A_956, %parallel_loop3A_957] {strides = array<i32>} : memref<6x8x1024xf32, #tpu.memory_space<vmem>>, vector<1x1x16xf32>,
        %parallel_loop3A_959 = vector.shape_cast %parallel_loop3A_958 : vector<1x1x16xf32> to vector<16xf32>
        %parallel_loop3A_960 = vector.shape_cast %parallel_loop3A_911 : vector<16xf32> to vector<1x1x16xf32>
        tpu.vector_store %arg7[%parallel_loop3A_955, %parallel_loop3A_956, %parallel_loop3A_957], %parallel_loop3A_960 {strides = array<i32>} : memref<6x8x1024xf32, #tpu.memory_space<vmem>>, vector<1x1x16xf32>,
        %parallel_loop3A_961 = arith.index_cast %rem3A_92 : i32 to index
        %parallel_loop3A_962 = arith.index_cast %parallel_loop3A_134 : i32 to index
        %parallel_loop3A_963 = arith.constant 1008 : index
        %parallel_loop3A_964 = tpu.vector_load %arg7[%parallel_loop3A_961, %parallel_loop3A_962, %parallel_loop3A_963] {strides = array<i32>} : memref<6x8x1024xf32, #tpu.memory_space<vmem>>, vector<1x1x16xf32>,
        %parallel_loop3A_965 = vector.shape_cast %parallel_loop3A_964 : vector<1x1x16xf32> to vector<16xf32>
        %parallel_loop3A_966 = vector.shape_cast %parallel_loop3A_918 : vector<16xf32> to vector<1x1x16xf32>
        tpu.vector_store %arg7[%parallel_loop3A_961, %parallel_loop3A_962, %parallel_loop3A_963], %parallel_loop3A_966 {strides = array<i32>} : memref<6x8x1024xf32, #tpu.memory_space<vmem>>, vector<1x1x16xf32>,
      } {sc.loop_unroll_factor = 2 : i64, sc.parallel_access}
      %div3A = arith.constant 7 : i32
      %div3A_108 = arith.divsi %add3A_88, %div3A : i32
      %rem3A_109 = arith.constant 7 : i32
      %rem3A_110 = arith.remsi %add3A_88, %rem3A_109 : i32
      %add3A_111 = arith.addi %mul3A_6, %div3A_108 : i32
      %mul3A_112 = arith.constant 8 : i32
      %mul3A_113 = arith.muli %rem3A_110, %mul3A_112 : i32
      %dma_start3A_114 = arith.constant 0 : i32
      %dma_start3A_115 = arith.constant 0 : i32
      %dma_start3A_116 = tpu.memref_slice %arg7[%rem3A_92, %dma_start3A_114, %dma_start3A_115] : memref<6x8x1024xf32, #tpu.memory_space<vmem>> -> memref<1x8x1024xf32, #tpu.memory_space<vmem>>
      %dma_start3A_117 = tpu.memref_squeeze %dma_start3A_116 : memref<1x8x1024xf32, #tpu.memory_space<vmem>> -> memref<8x1024xf32, #tpu.memory_space<vmem>>
      %dma_start3A_118 = arith.constant 0 : i32
      %dma_start3A_119 = tpu.memref_slice %arg4[%add3A_111, %mul3A_113, %dma_start3A_118] : memref<1024x56x1024xf32, #tpu.memory_space<hbm>> -> memref<1x8x1024xf32, #tpu.memory_space<hbm>>
      %dma_start3A_120 = tpu.memref_squeeze %dma_start3A_119 : memref<1x8x1024xf32, #tpu.memory_space<hbm>> -> memref<8x1024xf32, #tpu.memory_space<hbm>>
      %dma_start3A_121 = arith.constant 0 : i32
      %dma_start3A_122 = tpu.memref_slice %arg4[%add3A_111, %mul3A_113, %dma_start3A_121] : memref<1024x56x1024xf32, #tpu.memory_space<hbm>> -> memref<1x8x1024xf32, #tpu.memory_space<hbm>>
      %dma_start3A_123 = tpu.memref_squeeze %dma_start3A_122 : memref<1x8x1024xf32, #tpu.memory_space<hbm>> -> memref<8x1024xf32, #tpu.memory_space<hbm>>
      %dma_start3A_124 = arith.constant 0 : i32
      %dma_start3A_125 = arith.constant 0 : i32
      %dma_start3A_126 = tpu.memref_slice %arg7[%rem3A_92, %dma_start3A_124, %dma_start3A_125] : memref<6x8x1024xf32, #tpu.memory_space<vmem>> -> memref<1x8x1024xf32, #tpu.memory_space<vmem>>
      %dma_start3A_127 = tpu.memref_squeeze %dma_start3A_126 : memref<1x8x1024xf32, #tpu.memory_space<vmem>> -> memref<8x1024xf32, #tpu.memory_space<vmem>>
      tpu.enqueue_dma source(%dma_start3A_127 : memref<8x1024xf32, #tpu.memory_space<vmem>>) target(%dma_start3A_123 : memref<8x1024xf32, #tpu.memory_space<hbm>>) target_semaphore(%arg9 : memref<!tpu.dma_semaphore, #tpu.memory_space<semaphore_mem>>)
      %add3A_128 = arith.constant 5 : i32
      %add3A_129 = arith.addi %add3A_88, %add3A_128 : i32
      %lt3A = arith.constant 224 : i32
      %lt3A_130 = arith.cmpi slt, %add3A_129, %lt3A : i32
      %convert_element_type3A_131 = arith.extui %lt3A_130 : i1 to i32
      %cond3A_132 = arith.constant 0 : i32
      %cond3A_133 = arith.cmpi ne, %convert_element_type3A_131, %cond3A_132 : i32
      scf.if %cond3A_133 {
        %add3A_134 = arith.constant 5 : i32
        %add3A_135 = arith.addi %add3A_88, %add3A_134 : i32
        %mul3A_136 = arith.constant 8 : i32
        %mul3A_137 = arith.muli %add3A_135, %mul3A_136 : i32
        %rem3A_138 = arith.constant 6 : i32
        %rem3A_139 = arith.remsi %add3A_135, %rem3A_138 : i32
        %dma_start3A_140 = arith.constant 0 : i32
        %dma_start3A_141 = arith.constant 0 : i32
        %dma_start3A_142 = arith.constant 0 : i32
        %dma_start3A_143 = tpu.memref_slice %arg6[%rem3A_139, %dma_start3A_140, %dma_start3A_141, %dma_start3A_142] : memref<6x8x8x128xf32, #tpu.memory_space<vmem>> -> memref<1x8x8x128xf32, #tpu.memory_space<vmem>>
        %dma_start3A_144 = tpu.memref_squeeze %dma_start3A_143 : memref<1x8x8x128xf32, #tpu.memory_space<vmem>> -> memref<8x8x128xf32, #tpu.memory_space<vmem>>
        %dma_start3A_145 = tpu.memref_slice %arg5[%mul3A_137] : memref<1792xi32, #tpu.memory_space<vmem>> -> memref<8xi32, #tpu.memory_space<vmem>>
        %dma_start3A_146 = arith.constant 0 : i32
        %dma_start3A_147 = arith.constant 0 : i32
        %dma_start3A_148 = arith.constant 0 : i32
        %dma_start3A_149 = tpu.memref_slice %arg3[%dma_start3A_146, %dma_start3A_147, %dma_start3A_148] : memref<1000x8x128xf32, #tpu.memory_space<hbm>> -> memref<1000x8x128xf32, #tpu.memory_space<hbm>>
        tpu.enqueue_indirect_dma source(%dma_start3A_149 : memref<1000x8x128xf32, #tpu.memory_space<hbm>>) target(%dma_start3A_144 : memref<8x8x128xf32, #tpu.memory_space<vmem>>) offsets(%dma_start3A_145 : memref<8xi32, #tpu.memory_space<vmem>>) semaphore(%arg8 : memref<!tpu.dma_semaphore, #tpu.memory_space<semaphore_mem>>)
      } else {
      }
    }
    %scan3A_78 = arith.constant 224 : i32
    %scan3A_79 = arith.constant 0 : i32
    %scan3A_80 = arith.constant 6 : i32
    %scan3A_81 = arith.addi %scan3A_79, %scan3A_80 : i32
    %scan3A_82 = arith.constant 1 : i32
    scf.for %scan3A_84 = %scan3A_79 to %scan3A_81 step %scan3A_82  : i32 {
      %mul3A_85 = arith.constant 1 : i32
      %mul3A_86 = arith.muli %scan3A_84, %mul3A_85 : i32
      %add3A_87 = arith.constant 0 : i32
      %add3A_88 = arith.addi %add3A_87, %mul3A_86 : i32
      %dma_wait3A = arith.constant 0 : i32
      %dma_wait3A_89 = arith.constant 0 : i32
      %dma_wait3A_90 = arith.constant 0 : i32
      %dma_wait3A_91 = arith.constant 0 : i32
      %dma_wait3A_92 = tpu.memref_slice %arg7[%dma_wait3A, %dma_wait3A_90, %dma_wait3A_91] : memref<6x8x1024xf32, #tpu.memory_space<vmem>> -> memref<1x8x1024xf32, #tpu.memory_space<vmem>>
      %dma_wait3A_93 = tpu.memref_squeeze %dma_wait3A_92 : memref<1x8x1024xf32, #tpu.memory_space<vmem>> -> memref<8x1024xf32, #tpu.memory_space<vmem>>
      %dma_wait3A_94 = arith.constant 0 : i32
      %dma_wait3A_95 = arith.constant 0 : i32
      %dma_wait3A_96 = tpu.memref_slice %arg4[%dma_wait3A_89, %dma_wait3A_94, %dma_wait3A_95] : memref<1024x56x1024xf32, #tpu.memory_space<hbm>> -> memref<1x8x1024xf32, #tpu.memory_space<hbm>>
      %dma_wait3A_97 = tpu.memref_squeeze %dma_wait3A_96 : memref<1x8x1024xf32, #tpu.memory_space<hbm>> -> memref<8x1024xf32, #tpu.memory_space<hbm>>
      %dma_wait3A_98 = arith.constant 0 : i32
      %dma_wait3A_99 = arith.constant 0 : i32
      %dma_wait3A_100 = tpu.memref_slice %arg4[%dma_wait3A_89, %dma_wait3A_98, %dma_wait3A_99] : memref<1024x56x1024xf32, #tpu.memory_space<hbm>> -> memref<1x8x1024xf32, #tpu.memory_space<hbm>>
      %dma_wait3A_101 = tpu.memref_squeeze %dma_wait3A_100 : memref<1x8x1024xf32, #tpu.memory_space<hbm>> -> memref<8x1024xf32, #tpu.memory_space<hbm>>
      %dma_wait3A_102 = arith.constant 0 : i32
      %dma_wait3A_103 = arith.constant 0 : i32
      %dma_wait3A_104 = tpu.memref_slice %arg7[%dma_wait3A, %dma_wait3A_102, %dma_wait3A_103] : memref<6x8x1024xf32, #tpu.memory_space<vmem>> -> memref<1x8x1024xf32, #tpu.memory_space<vmem>>
      %dma_wait3A_105 = tpu.memref_squeeze %dma_wait3A_104 : memref<1x8x1024xf32, #tpu.memory_space<vmem>> -> memref<8x1024xf32, #tpu.memory_space<vmem>>
      tpu.wait_dma2 semaphore(%arg9 : memref<!tpu.dma_semaphore, #tpu.memory_space<semaphore_mem>>) src(%dma_wait3A_105 : memref<8x1024xf32, #tpu.memory_space<vmem>>) dst(%dma_wait3A_101 : memref<8x1024xf32, #tpu.memory_space<hbm>>)
    }
    %scan3A_83 = arith.constant 6 : i32
    return
  }
}

</mosaic_0001>

<sc_bundles>
// kernel: _gather_sc.3.cloned.1.call-start
scs
__scs_entry_jumppad:
0x0: {  	(pc) =	sbr.rel $0x88, $3  }
0x1: {  	(tag) =	ssettag $0x0;
	lr =	simm.s32 $0x1  }
0x2: {  	[smem:$0x3F9F] =	sst lr;
	_ =	strace $0xD0000000  }
0x3: {  	_ = 	snop  }
0x4: {  	_ = 	snop  }
0x5: {  	_ = 	snop  }
0x6: {  	_ = 	snop  }
0x7: {  	_ = 	snop  }
__scs_overlays_trampoline_lowered:
0x8: {  	[smem:$0x3FAE] =	sst s0  }
0x9: {  	[smem:$0x3FAF] =	sst s1  }
0xa: {  	[smem:$0x3FB0] =	sst s2  }
0xb: {  	[smem:$0x3FB1] =	sst s3  }
0xc: {  	[smem:$0x3FB2] =	sst s4  }
0xd: {  	[smem:$0x3FB3] =	sst s5  }
0xe: {  	[smem:$0x3FB4] =	sst s6  }
0xf: {  	[smem:$0x3FB5] =	sst s7  }
0x10: {  	[smem:$0x3FB6] =	sst s8  }
0x11: {  	[smem:$0x3FB7] =	sst s9;
	s0 =	simm.s32 @!p0 $0x0  }
0x12: {  	s1 =	sld [smem:$0x3F9D];
	s0 =	simm.s32 @p0 $0x1  }
0x13: {  	[smem:$0x3FB8] =	sst s0;
	s0 =	simm.s32 @!p1 $0x0  }
0x14: {  	s2 =	sld [smem:$0x3F9C];
	s0 =	simm.s32 @p1 $0x1  }
0x15: {  	[smem:$0x3FB9] =	sst s0;
	s0 =	simm.s32 @!p2 $0x0  }
0x16: {  	s3 =	sld [smem:$0x3FDB];
	s0 =	simm.s32 @p2 $0x1  }
0x17: {  	s4 =	simm.s32 $0x1BF5;
	[smem:$0x3FBB] =	sst s0  }
0x18: {  	s0 =	sld [smem:$0x3F9E];
	_ =	swait.ge [sflag:s4], $0x0  }
0x19: {  	s7 =	sld [smem:$0x3F9F]  }
0x1a: {  	s8 =	sadd.s32 $0xFFFFE003, lr  }
0x1b: {  	s9 =	sadd.s32 $0xFFFFFEF7, lr;
	s5 =	simm.s32 $0xFFFFFFFF;
	p2 =	slt.u32 s8, $0xFFFFF086  }
0x1c: {  	p1 =	slt.u32 s9, $0xF7A;
	s5 =	simm.s32 @!p2 $0x0  }
0x1d: {  	s5 =	simm.s32 @p1 $0x1;
	p0 =	seq.s32 s7, s2  }
0x1e: {  	s7 =	smul.u32 @!p0 $0xF7A, s2;
	p2 =	seq.s32 @!p0 s5, $0x0  }
0x1f: {  	s9 =	smul.u32 $0xF7A, s1;
	s8 =	simm.s32 @!p0 $0x1BF5;
	p2 =	por !p2, p0  }
0x20: {  	[sflag:s8] =	ssyncset.s32 @!p0 $0xFFFFF086;
	s6 =	sadd.s32 @!p0 s3, s7;
	s7 =	simm.s32 @!p0 $0x108  }
0x21: {  	s3 =	sadd.s32 s3, s9;
	s6 =	sadd.s32 @!p0 $0x88, s6;
	s7 =	simm.s32 @p2 $0x1082  }
0x22: {  	[simem:s7], [sflag:s8] =	dma.local @!p0 [hbm:s6], $0xF7A  }
0x23: {  	s9 =	sor.u32 $0xD0000000, s2;
	s6 =	simm.s32 $0x108;
	_ =	swait.ge @!p0 [sflag:s8], $0x0  }
0x24: {  	s3 =	sadd.s32 $0x88, s3;
	s6 =	simm.s32 @!p1 $0x1082;
	[sflag:s4] =	ssyncset.s32 $0xFFFFF086  }
0x25: {  	[simem:s6], [sflag:s4] =	dma.local [hbm:s3], $0xF7A  }
0x26: {  	[smem:$0x3F9F] =	sst s1;
	(tag) =	ssettag s2;
	_ =	strace s9  }
0x27: {  	s1 =	sld [smem:$0x3FAF]  }
0x28: {  	s2 =	sld [smem:$0x3FB0]  }
0x29: {  	s4 =	sld [smem:$0x3FB2]  }
0x2a: {  	p0 =	seq.s32 s5, $0x0;
	s5 =	sld [smem:$0x3FB3]  }
0x2b: {  	s6 =	sld [smem:$0x3FB4]  }
0x2c: {  	s7 =	sld [smem:$0x3FB5]  }
0x2d: {  	s3 =	simm.s32 $0x108;
	s8 =	sld [smem:$0x3FB6]  }
0x2e: {  	s3 =	simm.s32 @!p0 $0x1082;
	s9 =	sld [smem:$0x3FB7]  }
0x2f: {  	lr =	sadd.s32 s0, s3;
	s0 =	sld [smem:$0x3FAE]  }
0x30: {  	s3 =	sld [smem:$0x3FB1]  }
0x31: {  	[smem:$0x3FBA] =	sst s10  }
0x32: {  	s10 =	sld [smem:$0x3FB8];
	_ =	sdelay $0x3  }
0x33: {  	p0 =	seq.s32 s10, $0x1;
	s10 =	sld [smem:$0x3FBA];
	_ =	sdelay $0x3  }
0x34: {  	[smem:$0x3FBA] =	sst s10  }
0x35: {  	s10 =	sld [smem:$0x3FB9];
	_ =	sdelay $0x3  }
0x36: {  	p1 =	seq.s32 s10, $0x1;
	s10 =	sld [smem:$0x3FBA];
	_ =	sdelay $0x3  }
0x37: {  	[smem:$0x3FBA] =	sst s10  }
0x38: {  	s10 =	sld [smem:$0x3FBB]  }
0x39: {  	_ = 	snop;
	(pc) =	sbr.ind lr, $3  }
0x3a: {  	_ = 	snop  }
0x3b: {  	_ = 	snop  }
0x3c: {  	p2 =	seq.s32 s10, $0x1;
	s10 =	sld [smem:$0x3FBA]  }
0x3d: {  	_ =	shalt  }
0x3e: {  	_ =	shalt  }
0x3f: {  	_ =	shalt  }
0x40: {  	_ =	shalt  }
0x41: {  	_ =	shalt  }
0x42: {  	_ =	shalt  }
0x43: {  	_ =	shalt  }
0x44: {  	_ =	shalt  }
0x45: {  	_ =	shalt  }
0x46: {  	_ =	shalt  }
0x47: {  	_ =	shalt  }
0x48: {  	_ =	shalt  }
0x49: {  	_ =	shalt  }
0x4a: {  	_ =	shalt  }
0x4b: {  	_ =	shalt  }
0x4c: {  	_ =	shalt  }
0x4d: {  	_ =	shalt  }
0x4e: {  	_ =	shalt  }
0x4f: {  	_ =	shalt  }
0x50: {  	_ =	shalt  }
0x51: {  	_ =	shalt  }
0x52: {  	_ =	shalt  }
0x53: {  	_ =	shalt  }
0x54: {  	_ =	shalt  }
0x55: {  	_ =	shalt  }
0x56: {  	_ =	shalt  }
0x57: {  	_ =	shalt  }
0x58: {  	_ =	shalt  }
0x59: {  	_ =	shalt  }
0x5a: {  	_ =	shalt  }
0x5b: {  	_ =	shalt  }
0x5c: {  	_ =	shalt  }
0x5d: {  	_ =	shalt  }
0x5e: {  	_ =	shalt  }
0x5f: {  	_ =	shalt  }
0x60: {  	_ =	shalt  }
0x61: {  	_ =	shalt  }
0x62: {  	_ =	shalt  }
0x63: {  	_ =	shalt  }
0x64: {  	_ =	shalt  }
0x65: {  	_ =	shalt  }
0x66: {  	_ =	shalt  }
0x67: {  	_ =	shalt  }
0x68: {  	_ =	shalt  }
0x69: {  	_ =	shalt  }
0x6a: {  	_ =	shalt  }
0x6b: {  	_ =	shalt  }
0x6c: {  	_ =	shalt  }
0x6d: {  	_ =	shalt  }
0x6e: {  	_ =	shalt  }
0x6f: {  	_ =	shalt  }
0x70: {  	_ =	shalt  }
0x71: {  	_ =	shalt  }
0x72: {  	_ =	shalt  }
0x73: {  	_ =	shalt  }
0x74: {  	_ =	shalt  }
0x75: {  	_ =	shalt  }
0x76: {  	_ =	shalt  }
0x77: {  	_ =	shalt  }
0x78: {  	_ =	shalt  }
0x79: {  	_ =	shalt  }
0x7a: {  	_ =	shalt  }
0x7b: {  	_ =	shalt  }
0x7c: {  	_ =	shalt  }
0x7d: {  	_ =	shalt  }
0x7e: {  	_ =	shalt  }
0x7f: {  	_ =	shalt  }
0x80: {  	_ =	shalt  }
0x81: {  	_ =	shalt  }
0x82: {  	_ =	shalt  }
0x83: {  	_ =	shalt  }
0x84: {  	_ =	shalt  }
0x85: {  	_ =	shalt  }
0x86: {  	_ =	shalt  }
0x87: {  	_ =	shalt  }
.Lfunc_end0:
.L_simem_size_0:
called_computation_lowered:
.L_overlay_start_0:
0x88: {  	s2 =	sld [smem:$0x3FD9]  }
0x89: {  	s3 =	sld [smem:$0x3FFE];
	_ =	sdelay $0x1  }
0x8a: {  	s1 =	srdreg.scid  }
0x8b: {  	s0 =	sand.u32 $0x1, s1  }
0x8c: {  	s18 =	sshll.u32 s0, $0xA;
	s2 =	sadd.s32 s3, s2  }
0x8d: {  	s2 =	sadd.s32 s2, s18  }
0x8e: {  	[smem:$0x3FC6] =	sst s2  }
0x8f: {  	_ = 	snop  }
0x90: {  	s2 =	sld [smem:$0x3FC9]  }
0x91: {  	s19 =	sld [smem:$0x3FC8]  }
0x92: {  	s4 =	sld [smem:$0x3FD0];
	(tm) =	ssettm $0x1  }
0x93: {  	s5 =	sld [smem:$0x3FFB];
	_ =	sdelay $0x3  }
0x94: {  	_ =	strace s5  }
0x95: {  	s5 =	sld [smem:$0x3FFC];
	_ =	sdelay $0x3  }
0x96: {  	_ =	strace s5  }
0x97: {  	s5 =	sld [smem:$0x3FFD];
	_ =	sdelay $0x3  }
0x98: {  	_ =	strace s5  }
0x99: {  	_ =	strace $0x8FFFFFFF  }
0x9a: {  	s20 =	sld [smem:$0x3FDB];
	_ =	sdelay $0x1  }
0x9b: {  	s6 =	simm.s32 $_scs_section_size  }
0x9c: {  	s7 =	simm.s32 $_size__tile_overlayer_lowered;
	s8 =	simm.s32 $_tile_overlayer_lowered  }
0x9d: {  	s23 =	simm.s32 $0x1BFF;
	s22 =	sshll.u32 s8, $0x1;
	s5 =	sadd.s32 s6, s20  }
0x9e: {  	s9 =	simm.s32 $0x0;
	s21 =	sshll.u32 s7, $0x1;
	s7 =	sadd.s32 s22, s5  }
0x9f: {  	[timem:s9], [sflag:s23] =	dma.local [hbm:s7], s21  }
0xa0: {  	_ =	swait.ge [sflag:s23], s21  }
0xa1: {  	s6 =	ssub.s32 $0x0, s21;
	[sflag:s23] =	ssyncset.done $0x0  }
0xa2: {  	[sflag:s23] =	ssyncadd.s32 s6;
	_ =	sdelay $0x1  }
0xa3: {  	s24 =	simm.s32 $0x1B8B  }
0xa4: {  	_ =	swait.ge [sflag:s24], $0x1  }
0xa5: {  	[sflag:s24] =	ssyncset.done $0x0  }
0xa6: {  	s25 =	simm.s32 $0x1B8E;
	[sflag:s24] =	ssyncadd.s32 $0xFFFFFFFF  }
0xa7: {  	s26 =	simm.s32 $execute0_lowered;
	[smem:$0x3FD2] =	sst s25  }
0xa8: {  	s6 =	sshll.u32 s26, $0x1;
	_ =	strace $0x80000046;
	[dreg:$0x1] =	wrdreg $0xFFFFFFFF  }
0xa9: {  	s28 =	simm.s32 $_size_execute0_lowered;
	s5 =	sadd.s32 s5, s6;
	[dreg:$0x0] =	wrdreg $0x0  }
0xaa: {  	s6 =	sshll.u32 s28, $0x1;
	[dreg:$0x2] =	wrdreg s5  }
0xab: {  	[dreg:$0x3] =	wrdreg s6  }
0xac: {  	[dreg:$0x4] =	wrdreg $0xC0  }
0xad: {  	_ =	task [dreg:s9], $0x5FFFF  }
0xae: {  	[dreg:$0x1] =	wrdreg $0xFFFFFFFF  }
0xaf: {  	[dreg:$0x0] =	wrdreg $0x60  }
0xb0: {  	[dreg:$0x2] =	wrdreg s2  }
0xb1: {  	[dreg:$0x3] =	wrdreg s19  }
0xb2: {  	[dreg:$0x4] =	wrdreg s4  }
0xb3: {  	[dreg:$0x5] =	wrdreg $0x9  }
0xb4: {  	_ =	task.clear_ibuf [dreg:s9], $0x6FFFF;
	_ =	strace $0x90000046  }
0xb5: {  	s29 =	simm.s32 $0x9;
	_ =	strace $0x80000048  }
0xb6: {  	_ =	swait.ge [sflag:s29], $0x1  }
0xb7: {  	[sflag:s29] =	ssyncadd.s32 $0xFFFFFFFF  }
0xb8: {  	_ =	strace $0x90000048  }
0xb9: {  	_ =	sfence  }
0xba: {  	s30 =	sld [smem:$0x0];
	_ =	sdelay $0x2  }
0xbb: {  	s31 =	sshll.u32 s1, $0xD;
	s1 =	sshrl.u32 s1, $0x2  }
0xbc: {  	s3 =	sand.u32 $0x4000, s31;
	s1 =	sadd.s32 s1, s30  }
0xbd: {  	s0 =	sor.u32 s3, s0;
	s1 =	sshll.u32 s1, $0x11  }
0xbe: {  	s0 =	sor.u32 s1, s0  }
0xbf: {  	s0 =	sadd.s32 $0x8F2B, s0  }
0xc0: {  	[sflag:s0] =	ssyncadd.remote.s32 $0x1  }
0xc1: {  	_ =	sfence.sel $0xFFFF  }
0xc2: {  	[dreg:$0x0] =	wrdreg $0xFFFFFFFF;
	(pc) =	sbr.abs _section_cstart, $3  }
0xc3: {  	[dreg:$0x1] =	wrdreg $0xFFFFFFFF  }
0xc4: {  	_ =	task.clear_ibuf [dreg:s9], $0x2FFFF;
	_ =	strace $0x9FFFFFFF  }
0xc5: {  	(tm) =	ssettm $0x7FFFFFFF  }
tec
execute0_lowered:
.L_overlay_start_1:
0x0: {  	(tag) =	ssettag $0x1  }
0x1: {  	s6 =	rddreg [dreg:$0x0]  }
0x2: {  	s2 =	rddreg [dreg:$0x1]  }
0x3: {  	s3 =	rddreg [dreg:$0x2]  }
0x4: {  	s4 =	srdreg.scid;
	s1 =	stileid.u32  }
0x5: {  	s0 =	rddreg [dreg:$0x3];
	s10 =	simm.s32 $0x700;
	s11 =	simm.s32 $0x2700  }
0x6: {  	s12 =	simm.s32 $0x10;
	s13 =	simm.s32 $0x4700;
	s14 =	simm.s32 $0x18  }
0x7: {  	s15 =	simm.s32 $0x6700;
	s16 =	simm.s32 $0x20;
	s17 =	simm.s32 $0x8700  }
0x8: {  	s18 =	simm.s32 $0x1;
	s19 =	simm.s32 $0x2;
	s20 =	simm.s32 $0x0  }
0x9: {  	s5 =	sand.u32 $0x1, s4;
	s7 =	sshll.u32 s1, $0x1;
	s4 =	simm.s32 $0x0  }
0xa: {  	s8 =	ssub.s32 $0x2, s5;
	s5 =	sor.u32 s5, s7;
	[smem:$0x7FF] =	sst s4  }
0xb: {  	s31 =	sshrl.u32 s8, $0x1;
	s9 =	smul.u32 $0xE0, s5;
	_ =	strace $0x80000047  }
0xc: {  	s5 =	sshll.u32 s5, $0x5;
	s7 =	ssub.s32 s8, s31;
	s8 =	simm.s32 $0x3  }
0xd: {  	s6 =	sadd.s32 s6, s9;
	s7 =	smax.u32 s7, $0x1;
	s9 =	simm.s32 $0x8  }
.LBB2_1:
0xe: {  	[tilespmem:s4], [sflag:$0x3] =	stream.linear.gather [hbm4b:s6+s4], $0x700, $0x38;
	[tilespmem:$0x18700] =	vst v63  }
0xf: {  	_ =	swait.ge [sflag:s8], $0x700  }
0x10: {  	[sflag:s8] =	ssyncset.done $0x0  }
0x11: {  	[sflag:s8] =	ssyncadd.s32 $0xFFFFF900  }
0x12: {  	[tilespmem:s10], [sflag:$0x1] =	stream.indirect.gather [hbm4b:s2+s9], $0x400, s4, s9, $0xb8;
	[tilespmem:$0x18700] =	vst v63  }
0x13: {  	_ = 	snop  }
0x14: {  	[tilespmem:s11], [sflag:$0x1] =	stream.indirect.gather [hbm4b:s2+s9], $0x400, s9, s9, $0xb8;
	[tilespmem:$0x18700] =	vst v63  }
0x15: {  	_ = 	snop  }
0x16: {  	[tilespmem:s13], [sflag:$0x1] =	stream.indirect.gather [hbm4b:s2+s9], $0x400, s12, s9, $0xb8;
	[tilespmem:$0x18700] =	vst v63  }
0x17: {  	_ = 	snop  }
0x18: {  	[tilespmem:s15], [sflag:$0x1] =	stream.indirect.gather [hbm4b:s2+s9], $0x400, s14, s9, $0xb8;
	[tilespmem:$0x18700] =	vst v63  }
0x19: {  	s21 =	simm.s32 $0x0  }
0x1a: {  	[tilespmem:s17], [sflag:$0x1] =	stream.indirect.gather [hbm4b:s2+s9], $0x400, s16, s9, $0xb8;
	[tilespmem:$0x18700] =	vst v63  }
.LBB2_2:
0x1b: {  	s22 =	smul.u32 $0xAB, s21;
	_ =	sdelay $0x1  }
0x1c: {  	s22 =	sshrl.u32 s22, $0xA  }
0x1d: {  	s22 =	sand.u32 $0x3F, s22  }
0x1e: {  	s22 =	smul.u32 $0x6, s22;
	_ =	sdelay $0x1  }
0x1f: {  	s22 =	ssub.s32 s21, s22  }
0x20: {  	p0 =	slt.u32 s21, $0x6;
	s22 =	sand.u32 $0xFF, s22  }
0x21: {  	s23 =	simm.s32 @!p0 $0x2;
	s22 =	sshll.u32 s22, $0xD  }
0x22: {  	_ =	swait.ge @!p0 [sflag:s23], $0x2000;
	s24 =	sor.u32 $0x700, s22  }
0x23: {  	[sflag:s23] =	ssyncset.done @!p0 $0x0;
	v1 =	vmov s24  }
0x24: {  	[sflag:s23] =	ssyncadd.s32 @!p0 $0xFFFFE000  }
0x25: {  	_ =	swait.ge [sflag:s18], $0x2000  }
0x26: {  	s28 =	simm.s32 $0x0;
	[sflag:s18] =	ssyncset.done $0x0  }
0x27: {  	s26 =	sand.u32 $0x3FFFFC00, s28;
	[sflag:s18] =	ssyncadd.s32 $0xFFFFE000  }
0x28: {  	v2 =	vld.idx.msk [tilespmem:v1+s26+$0x70 ss:$0x1], $0xffff  }
0x29: {  	v3 =	vld.idx.msk [tilespmem:v1+s26+$0x40 ss:$0x1], $0xffff  }
0x2a: {  	s22 =	sadd.s32 $0xC700, s22;
	v4 =	vld.idx.msk [tilespmem:v1+s26+$0x0 ss:$0x1], $0xffff  }
0x2b: {  	v0 =	vmov s22;
	v5 =	vld.idx.msk [tilespmem:v1+s26+$0x10 ss:$0x1], $0xffff  }
0x2c: {  	s30 =	simm.s32 $0x0;
	v6 =	vld.idx.msk [tilespmem:v1+s26+$0x20 ss:$0x1], $0xffff  }
0x2d: {  	s31 =	sor.u32 $0x1, s30;
	v7 =	vld.idx.msk [tilespmem:v1+s26+$0x30 ss:$0x1], $0xffff  }
0x2e: {  	s25 =	simm.s32 $0x0;
	s23 =	sshll.u32 s31, $0xA;
	v8 =	vld.idx.msk [tilespmem:v1+s26+$0x60 ss:$0x1], $0xffff  }
0x2f: {  	s25 =	sand.u32 $0x3FFFFF80, s25;
	s23 =	sand.u32 $0x3FFFFC00, s23;
	v9 =	vld.idx.msk [tilespmem:v1+s26+$0x50 ss:$0x1], $0xffff  }
0x30: {  	v10 =	vld.idx.msk [tilespmem:v1+s23+$0x20 ss:$0x1], $0xffff;
	[tilespmem:v0+s25+$0x0 ss:$0x1] =	vst.idx.msk $0xffff, v4  }
0x31: {  	v4 =	vld.idx.msk [tilespmem:v1+s23+$0x0 ss:$0x1], $0xffff;
	[tilespmem:v0+s25+$0x10 ss:$0x1] =	vst.idx.msk $0xffff, v5  }
0x32: {  	v5 =	vld.idx.msk [tilespmem:v1+s23+$0x70 ss:$0x1], $0xffff;
	[tilespmem:v0+s25+$0x20 ss:$0x1] =	vst.idx.msk $0xffff, v6  }
0x33: {  	v6 =	vld.idx.msk [tilespmem:v1+s23+$0x10 ss:$0x1], $0xffff;
	[tilespmem:v0+s25+$0x30 ss:$0x1] =	vst.idx.msk $0xffff, v7  }
0x34: {  	v7 =	vld.idx.msk [tilespmem:v1+s23+$0x30 ss:$0x1], $0xffff;
	[tilespmem:v0+s25+$0x40 ss:$0x1] =	vst.idx.msk $0xffff, v3  }
0x35: {  	v3 =	vld.idx.msk [tilespmem:v1+s23+$0x60 ss:$0x1], $0xffff;
	[tilespmem:v0+s25+$0x50 ss:$0x1] =	vst.idx.msk $0xffff, v9  }
0x36: {  	s24 =	sshll.u32 s31, $0x7;
	[tilespmem:v0+s25+$0x60 ss:$0x1] =	vst.idx.msk $0xffff, v8;
	v8 =	vld.idx.msk [tilespmem:v1+s23+$0x40 ss:$0x1], $0xffff  }
0x37: {  	s24 =	sand.u32 $0x3FFFFF80, s24;
	[tilespmem:v0+s25+$0x70 ss:$0x1] =	vst.idx.msk $0xffff, v2;
	v2 =	vld.idx.msk [tilespmem:v1+s23+$0x50 ss:$0x1], $0xffff  }
0x38: {  	[tilespmem:v0+s24+$0x0 ss:$0x1] =	vst.idx.msk $0xffff, v4;
	v9 =	vld.idx.msk [tilespmem:v1+s26+$0xA0 ss:$0x1], $0xffff  }
0x39: {  	v4 =	vld.idx.msk [tilespmem:v1+s26+$0x90 ss:$0x1], $0xffff;
	[tilespmem:v0+s24+$0x10 ss:$0x1] =	vst.idx.msk $0xffff, v6  }
0x3a: {  	v6 =	vld.idx.msk [tilespmem:v1+s26+$0x80 ss:$0x1], $0xffff;
	[tilespmem:v0+s24+$0x20 ss:$0x1] =	vst.idx.msk $0xffff, v10  }
0x3b: {  	v10 =	vld.idx.msk [tilespmem:v1+s26+$0xB0 ss:$0x1], $0xffff;
	[tilespmem:v0+s24+$0x30 ss:$0x1] =	vst.idx.msk $0xffff, v7  }
0x3c: {  	v7 =	vld.idx.msk [tilespmem:v1+s26+$0xC0 ss:$0x1], $0xffff;
	[tilespmem:v0+s24+$0x40 ss:$0x1] =	vst.idx.msk $0xffff, v8  }
0x3d: {  	v8 =	vld.idx.msk [tilespmem:v1+s26+$0xD0 ss:$0x1], $0xffff;
	[tilespmem:v0+s24+$0x50 ss:$0x1] =	vst.idx.msk $0xffff, v2  }
0x3e: {  	v2 =	vld.idx.msk [tilespmem:v1+s26+$0xE0 ss:$0x1], $0xffff;
	[tilespmem:v0+s24+$0x60 ss:$0x1] =	vst.idx.msk $0xffff, v3  }
0x3f: {  	v3 =	vld.idx.msk [tilespmem:v1+s26+$0xF0 ss:$0x1], $0xffff;
	[tilespmem:v0+s24+$0x70 ss:$0x1] =	vst.idx.msk $0xffff, v5  }
0x40: {  	[tilespmem:v0+s25+$0x400 ss:$0x1] =	vst.idx.msk $0xffff, v6;
	v5 =	vld.idx.msk [tilespmem:v1+s23+$0x80 ss:$0x1], $0xffff  }
0x41: {  	[tilespmem:v0+s25+$0x410 ss:$0x1] =	vst.idx.msk $0xffff, v4;
	v4 =	vld.idx.msk [tilespmem:v1+s23+$0xF0 ss:$0x1], $0xffff  }
0x42: {  	[tilespmem:v0+s25+$0x420 ss:$0x1] =	vst.idx.msk $0xffff, v9;
	v6 =	vld.idx.msk [tilespmem:v1+s23+$0xE0 ss:$0x1], $0xffff  }
0x43: {  	v9 =	vld.idx.msk [tilespmem:v1+s23+$0x90 ss:$0x1], $0xffff;
	[tilespmem:v0+s25+$0x430 ss:$0x1] =	vst.idx.msk $0xffff, v10  }
0x44: {  	[tilespmem:v0+s25+$0x440 ss:$0x1] =	vst.idx.msk $0xffff, v7;
	v7 =	vld.idx.msk [tilespmem:v1+s23+$0xA0 ss:$0x1], $0xffff  }
0x45: {  	[tilespmem:v0+s25+$0x450 ss:$0x1] =	vst.idx.msk $0xffff, v8;
	v8 =	vld.idx.msk [tilespmem:v1+s23+$0xB0 ss:$0x1], $0xffff  }
0x46: {  	[tilespmem:v0+s25+$0x460 ss:$0x1] =	vst.idx.msk $0xffff, v2;
	v2 =	vld.idx.msk [tilespmem:v1+s23+$0xC0 ss:$0x1], $0xffff  }
0x47: {  	[tilespmem:v0+s25+$0x470 ss:$0x1] =	vst.idx.msk $0xffff, v3;
	v3 =	vld.idx.msk [tilespmem:v1+s23+$0xD0 ss:$0x1], $0xffff  }
0x48: {  	[tilespmem:v0+s24+$0x400 ss:$0x1] =	vst.idx.msk $0xffff, v5;
	v10 =	vld.idx.msk [tilespmem:v1+s26+$0x120 ss:$0x1], $0xffff  }
0x49: {  	v5 =	vld.idx.msk [tilespmem:v1+s26+$0x110 ss:$0x1], $0xffff;
	[tilespmem:v0+s24+$0x410 ss:$0x1] =	vst.idx.msk $0xffff, v9  }
0x4a: {  	v9 =	vld.idx.msk [tilespmem:v1+s26+$0x100 ss:$0x1], $0xffff;
	[tilespmem:v0+s24+$0x420 ss:$0x1] =	vst.idx.msk $0xffff, v7  }
0x4b: {  	v7 =	vld.idx.msk [tilespmem:v1+s26+$0x130 ss:$0x1], $0xffff;
	[tilespmem:v0+s24+$0x430 ss:$0x1] =	vst.idx.msk $0xffff, v8  }
0x4c: {  	v8 =	vld.idx.msk [tilespmem:v1+s26+$0x140 ss:$0x1], $0xffff;
	[tilespmem:v0+s24+$0x440 ss:$0x1] =	vst.idx.msk $0xffff, v2  }
0x4d: {  	v2 =	vld.idx.msk [tilespmem:v1+s26+$0x150 ss:$0x1], $0xffff;
	[tilespmem:v0+s24+$0x450 ss:$0x1] =	vst.idx.msk $0xffff, v3  }
0x4e: {  	v3 =	vld.idx.msk [tilespmem:v1+s26+$0x160 ss:$0x1], $0xffff;
	[tilespmem:v0+s24+$0x460 ss:$0x1] =	vst.idx.msk $0xffff, v6  }
0x4f: {  	v6 =	vld.idx.msk [tilespmem:v1+s26+$0x170 ss:$0x1], $0xffff;
	[tilespmem:v0+s24+$0x470 ss:$0x1] =	vst.idx.msk $0xffff, v4  }
0x50: {  	[tilespmem:v0+s25+$0x800 ss:$0x1] =	vst.idx.msk $0xffff, v9;
	v4 =	vld.idx.msk [tilespmem:v1+s23+$0x100 ss:$0x1], $0xffff  }
0x51: {  	[tilespmem:v0+s25+$0x810 ss:$0x1] =	vst.idx.msk $0xffff, v5;
	v5 =	vld.idx.msk [tilespmem:v1+s23+$0x170 ss:$0x1], $0xffff  }
0x52: {  	[tilespmem:v0+s25+$0x820 ss:$0x1] =	vst.idx.msk $0xffff, v10;
	v9 =	vld.idx.msk [tilespmem:v1+s23+$0x160 ss:$0x1], $0xffff  }
0x53: {  	[tilespmem:v0+s25+$0x830 ss:$0x1] =	vst.idx.msk $0xffff, v7;
	v7 =	vld.idx.msk [tilespmem:v1+s23+$0x110 ss:$0x1], $0xffff  }
0x54: {  	[tilespmem:v0+s25+$0x840 ss:$0x1] =	vst.idx.msk $0xffff, v8;
	v8 =	vld.idx.msk [tilespmem:v1+s23+$0x120 ss:$0x1], $0xffff  }
0x55: {  	[tilespmem:v0+s25+$0x850 ss:$0x1] =	vst.idx.msk $0xffff, v2;
	v2 =	vld.idx.msk [tilespmem:v1+s23+$0x130 ss:$0x1], $0xffff  }
0x56: {  	[tilespmem:v0+s25+$0x860 ss:$0x1] =	vst.idx.msk $0xffff, v3;
	v3 =	vld.idx.msk [tilespmem:v1+s23+$0x140 ss:$0x1], $0xffff  }
0x57: {  	[tilespmem:v0+s25+$0x870 ss:$0x1] =	vst.idx.msk $0xffff, v6;
	v6 =	vld.idx.msk [tilespmem:v1+s23+$0x150 ss:$0x1], $0xffff  }
0x58: {  	[tilespmem:v0+s24+$0x800 ss:$0x1] =	vst.idx.msk $0xffff, v4;
	v10 =	vld.idx.msk [tilespmem:v1+s26+$0x1B0 ss:$0x1], $0xffff  }
0x59: {  	v4 =	vld.idx.msk [tilespmem:v1+s26+$0x1A0 ss:$0x1], $0xffff;
	[tilespmem:v0+s24+$0x810 ss:$0x1] =	vst.idx.msk $0xffff, v7  }
0x5a: {  	v7 =	vld.idx.msk [tilespmem:v1+s26+$0x190 ss:$0x1], $0xffff;
	[tilespmem:v0+s24+$0x820 ss:$0x1] =	vst.idx.msk $0xffff, v8  }
0x5b: {  	v8 =	vld.idx.msk [tilespmem:v1+s26+$0x180 ss:$0x1], $0xffff;
	[tilespmem:v0+s24+$0x830 ss:$0x1] =	vst.idx.msk $0xffff, v2  }
0x5c: {  	v2 =	vld.idx.msk [tilespmem:v1+s26+$0x1C0 ss:$0x1], $0xffff;
	[tilespmem:v0+s24+$0x840 ss:$0x1] =	vst.idx.msk $0xffff, v3  }
0x5d: {  	v3 =	vld.idx.msk [tilespmem:v1+s26+$0x1D0 ss:$0x1], $0xffff;
	[tilespmem:v0+s24+$0x850 ss:$0x1] =	vst.idx.msk $0xffff, v6  }
0x5e: {  	v6 =	vld.idx.msk [tilespmem:v1+s26+$0x1E0 ss:$0x1], $0xffff;
	[tilespmem:v0+s24+$0x860 ss:$0x1] =	vst.idx.msk $0xffff, v9  }
0x5f: {  	[tilespmem:v0+s24+$0x870 ss:$0x1] =	vst.idx.msk $0xffff, v5;
	v5 =	vld.idx.msk [tilespmem:v1+s26+$0x1F0 ss:$0x1], $0xffff  }
0x60: {  	[tilespmem:v0+s25+$0xC00 ss:$0x1] =	vst.idx.msk $0xffff, v8;
	v8 =	vld.idx.msk [tilespmem:v1+s23+$0x180 ss:$0x1], $0xffff  }
0x61: {  	[tilespmem:v0+s25+$0xC10 ss:$0x1] =	vst.idx.msk $0xffff, v7;
	v7 =	vld.idx.msk [tilespmem:v1+s23+$0x1F0 ss:$0x1], $0xffff  }
0x62: {  	v9 =	vld.idx.msk [tilespmem:v1+s23+$0x190 ss:$0x1], $0xffff;
	[tilespmem:v0+s25+$0xC20 ss:$0x1] =	vst.idx.msk $0xffff, v4  }
0x63: {  	v4 =	vld.idx.msk [tilespmem:v1+s23+$0x1E0 ss:$0x1], $0xffff;
	[tilespmem:v0+s25+$0xC30 ss:$0x1] =	vst.idx.msk $0xffff, v10  }
0x64: {  	[tilespmem:v0+s25+$0xC40 ss:$0x1] =	vst.idx.msk $0xffff, v2;
	v2 =	vld.idx.msk [tilespmem:v1+s23+$0x1A0 ss:$0x1], $0xffff  }
0x65: {  	[tilespmem:v0+s25+$0xC50 ss:$0x1] =	vst.idx.msk $0xffff, v3;
	v3 =	vld.idx.msk [tilespmem:v1+s23+$0x1B0 ss:$0x1], $0xffff  }
0x66: {  	[tilespmem:v0+s25+$0xC60 ss:$0x1] =	vst.idx.msk $0xffff, v6;
	v6 =	vld.idx.msk [tilespmem:v1+s23+$0x1C0 ss:$0x1], $0xffff  }
0x67: {  	[tilespmem:v0+s25+$0xC70 ss:$0x1] =	vst.idx.msk $0xffff, v5;
	v5 =	vld.idx.msk [tilespmem:v1+s23+$0x1D0 ss:$0x1], $0xffff  }
0x68: {  	[tilespmem:v0+s24+$0xC00 ss:$0x1] =	vst.idx.msk $0xffff, v8;
	v10 =	vld.idx.msk [tilespmem:v1+s26+$0x260 ss:$0x1], $0xffff  }
0x69: {  	v8 =	vld.idx.msk [tilespmem:v1+s26+$0x210 ss:$0x1], $0xffff;
	[tilespmem:v0+s24+$0xC10 ss:$0x1] =	vst.idx.msk $0xffff, v9  }
0x6a: {  	v9 =	vld.idx.msk [tilespmem:v1+s26+$0x200 ss:$0x1], $0xffff;
	[tilespmem:v0+s24+$0xC20 ss:$0x1] =	vst.idx.msk $0xffff, v2  }
0x6b: {  	v2 =	vld.idx.msk [tilespmem:v1+s26+$0x220 ss:$0x1], $0xffff;
	[tilespmem:v0+s24+$0xC30 ss:$0x1] =	vst.idx.msk $0xffff, v3  }
0x6c: {  	v3 =	vld.idx.msk [tilespmem:v1+s26+$0x230 ss:$0x1], $0xffff;
	[tilespmem:v0+s24+$0xC40 ss:$0x1] =	vst.idx.msk $0xffff, v6  }
0x6d: {  	v6 =	vld.idx.msk [tilespmem:v1+s26+$0x240 ss:$0x1], $0xffff;
	[tilespmem:v0+s24+$0xC50 ss:$0x1] =	vst.idx.msk $0xffff, v5  }
0x6e: {  	v5 =	vld.idx.msk [tilespmem:v1+s26+$0x250 ss:$0x1], $0xffff;
	[tilespmem:v0+s24+$0xC60 ss:$0x1] =	vst.idx.msk $0xffff, v4  }
0x6f: {  	v4 =	vld.idx.msk [tilespmem:v1+s26+$0x270 ss:$0x1], $0xffff;
	[tilespmem:v0+s24+$0xC70 ss:$0x1] =	vst.idx.msk $0xffff, v7  }
0x70: {  	[tilespmem:v0+s25+$0x1000 ss:$0x1] =	vst.idx.msk $0xffff, v9;
	v7 =	vld.idx.msk [tilespmem:v1+s23+$0x200 ss:$0x1], $0xffff  }
0x71: {  	[tilespmem:v0+s25+$0x1010 ss:$0x1] =	vst.idx.msk $0xffff, v8;
	v8 =	vld.idx.msk [tilespmem:v1+s23+$0x210 ss:$0x1], $0xffff  }
0x72: {  	[tilespmem:v0+s25+$0x1020 ss:$0x1] =	vst.idx.msk $0xffff, v2;
	v2 =	vld.idx.msk [tilespmem:v1+s23+$0x260 ss:$0x1], $0xffff  }
0x73: {  	v9 =	vld.idx.msk [tilespmem:v1+s23+$0x250 ss:$0x1], $0xffff;
	[tilespmem:v0+s25+$0x1030 ss:$0x1] =	vst.idx.msk $0xffff, v3  }
0x74: {  	v3 =	vld.idx.msk [tilespmem:v1+s23+$0x220 ss:$0x1], $0xffff;
	[tilespmem:v0+s25+$0x1040 ss:$0x1] =	vst.idx.msk $0xffff, v6  }
0x75: {  	v6 =	vld.idx.msk [tilespmem:v1+s23+$0x230 ss:$0x1], $0xffff;
	[tilespmem:v0+s25+$0x1050 ss:$0x1] =	vst.idx.msk $0xffff, v5  }
0x76: {  	v5 =	vld.idx.msk [tilespmem:v1+s23+$0x240 ss:$0x1], $0xffff;
	[tilespmem:v0+s25+$0x1060 ss:$0x1] =	vst.idx.msk $0xffff, v10  }
0x77: {  	[tilespmem:v0+s25+$0x1070 ss:$0x1] =	vst.idx.msk $0xffff, v4;
	v4 =	vld.idx.msk [tilespmem:v1+s23+$0x270 ss:$0x1], $0xffff  }
0x78: {  	[tilespmem:v0+s24+$0x1000 ss:$0x1] =	vst.idx.msk $0xffff, v7;
	v10 =	vld.idx.msk [tilespmem:v1+s26+$0x2B0 ss:$0x1], $0xffff  }
0x79: {  	v7 =	vld.idx.msk [tilespmem:v1+s26+$0x290 ss:$0x1], $0xffff;
	[tilespmem:v0+s24+$0x1010 ss:$0x1] =	vst.idx.msk $0xffff, v8  }
0x7a: {  	v8 =	vld.idx.msk [tilespmem:v1+s26+$0x280 ss:$0x1], $0xffff;
	[tilespmem:v0+s24+$0x1020 ss:$0x1] =	vst.idx.msk $0xffff, v3  }
0x7b: {  	v3 =	vld.idx.msk [tilespmem:v1+s26+$0x2A0 ss:$0x1], $0xffff;
	[tilespmem:v0+s24+$0x1030 ss:$0x1] =	vst.idx.msk $0xffff, v6  }
0x7c: {  	v6 =	vld.idx.msk [tilespmem:v1+s26+$0x2E0 ss:$0x1], $0xffff;
	[tilespmem:v0+s24+$0x1040 ss:$0x1] =	vst.idx.msk $0xffff, v5  }
0x7d: {  	v5 =	vld.idx.msk [tilespmem:v1+s26+$0x2F0 ss:$0x1], $0xffff;
	[tilespmem:v0+s24+$0x1050 ss:$0x1] =	vst.idx.msk $0xffff, v9  }
0x7e: {  	v9 =	vld.idx.msk [tilespmem:v1+s26+$0x2C0 ss:$0x1], $0xffff;
	[tilespmem:v0+s24+$0x1060 ss:$0x1] =	vst.idx.msk $0xffff, v2  }
0x7f: {  	v2 =	vld.idx.msk [tilespmem:v1+s26+$0x2D0 ss:$0x1], $0xffff;
	[tilespmem:v0+s24+$0x1070 ss:$0x1] =	vst.idx.msk $0xffff, v4  }
0x80: {  	[tilespmem:v0+s25+$0x1400 ss:$0x1] =	vst.idx.msk $0xffff, v8;
	v4 =	vld.idx.msk [tilespmem:v1+s23+$0x2F0 ss:$0x1], $0xffff  }
0x81: {  	[tilespmem:v0+s25+$0x1410 ss:$0x1] =	vst.idx.msk $0xffff, v7;
	v7 =	vld.idx.msk [tilespmem:v1+s23+$0x290 ss:$0x1], $0xffff  }
0x82: {  	[tilespmem:v0+s25+$0x1420 ss:$0x1] =	vst.idx.msk $0xffff, v3;
	v3 =	vld.idx.msk [tilespmem:v1+s23+$0x280 ss:$0x1], $0xffff  }
0x83: {  	v8 =	vld.idx.msk [tilespmem:v1+s23+$0x2D0 ss:$0x1], $0xffff;
	[tilespmem:v0+s25+$0x1430 ss:$0x1] =	vst.idx.msk $0xffff, v10  }
0x84: {  	[tilespmem:v0+s25+$0x1440 ss:$0x1] =	vst.idx.msk $0xffff, v9;
	v9 =	vld.idx.msk [tilespmem:v1+s23+$0x2A0 ss:$0x1], $0xffff  }
0x85: {  	[tilespmem:v0+s25+$0x1450 ss:$0x1] =	vst.idx.msk $0xffff, v2;
	v2 =	vld.idx.msk [tilespmem:v1+s23+$0x2B0 ss:$0x1], $0xffff  }
0x86: {  	[tilespmem:v0+s25+$0x1460 ss:$0x1] =	vst.idx.msk $0xffff, v6;
	v6 =	vld.idx.msk [tilespmem:v1+s23+$0x2C0 ss:$0x1], $0xffff  }
0x87: {  	[tilespmem:v0+s25+$0x1470 ss:$0x1] =	vst.idx.msk $0xffff, v5;
	v5 =	vld.idx.msk [tilespmem:v1+s23+$0x2E0 ss:$0x1], $0xffff  }
0x88: {  	[tilespmem:v0+s24+$0x1400 ss:$0x1] =	vst.idx.msk $0xffff, v3;
	v10 =	vld.idx.msk [tilespmem:v1+s26+$0x320 ss:$0x1], $0xffff  }
0x89: {  	v3 =	vld.idx.msk [tilespmem:v1+s26+$0x310 ss:$0x1], $0xffff;
	[tilespmem:v0+s24+$0x1410 ss:$0x1] =	vst.idx.msk $0xffff, v7  }
0x8a: {  	v7 =	vld.idx.msk [tilespmem:v1+s26+$0x300 ss:$0x1], $0xffff;
	[tilespmem:v0+s24+$0x1420 ss:$0x1] =	vst.idx.msk $0xffff, v9  }
0x8b: {  	v9 =	vld.idx.msk [tilespmem:v1+s26+$0x330 ss:$0x1], $0xffff;
	[tilespmem:v0+s24+$0x1430 ss:$0x1] =	vst.idx.msk $0xffff, v2  }
0x8c: {  	v2 =	vld.idx.msk [tilespmem:v1+s26+$0x340 ss:$0x1], $0xffff;
	[tilespmem:v0+s24+$0x1440 ss:$0x1] =	vst.idx.msk $0xffff, v6  }
0x8d: {  	v6 =	vld.idx.msk [tilespmem:v1+s26+$0x350 ss:$0x1], $0xffff;
	[tilespmem:v0+s24+$0x1450 ss:$0x1] =	vst.idx.msk $0xffff, v8  }
0x8e: {  	v8 =	vld.idx.msk [tilespmem:v1+s26+$0x360 ss:$0x1], $0xffff;
	[tilespmem:v0+s24+$0x1460 ss:$0x1] =	vst.idx.msk $0xffff, v5  }
0x8f: {  	v5 =	vld.idx.msk [tilespmem:v1+s26+$0x370 ss:$0x1], $0xffff;
	[tilespmem:v0+s24+$0x1470 ss:$0x1] =	vst.idx.msk $0xffff, v4  }
0x90: {  	[tilespmem:v0+s25+$0x1800 ss:$0x1] =	vst.idx.msk $0xffff, v7;
	v4 =	vld.idx.msk [tilespmem:v1+s23+$0x370 ss:$0x1], $0xffff  }
0x91: {  	[tilespmem:v0+s25+$0x1810 ss:$0x1] =	vst.idx.msk $0xffff, v3;
	v3 =	vld.idx.msk [tilespmem:v1+s23+$0x310 ss:$0x1], $0xffff  }
0x92: {  	[tilespmem:v0+s25+$0x1820 ss:$0x1] =	vst.idx.msk $0xffff, v10;
	v7 =	vld.idx.msk [tilespmem:v1+s23+$0x300 ss:$0x1], $0xffff  }
0x93: {  	[tilespmem:v0+s25+$0x1830 ss:$0x1] =	vst.idx.msk $0xffff, v9;
	v9 =	vld.idx.msk [tilespmem:v1+s23+$0x320 ss:$0x1], $0xffff  }
0x94: {  	[tilespmem:v0+s25+$0x1840 ss:$0x1] =	vst.idx.msk $0xffff, v2;
	v2 =	vld.idx.msk [tilespmem:v1+s23+$0x330 ss:$0x1], $0xffff  }
0x95: {  	[tilespmem:v0+s25+$0x1850 ss:$0x1] =	vst.idx.msk $0xffff, v6;
	v6 =	vld.idx.msk [tilespmem:v1+s23+$0x340 ss:$0x1], $0xffff  }
0x96: {  	[tilespmem:v0+s25+$0x1860 ss:$0x1] =	vst.idx.msk $0xffff, v8;
	v8 =	vld.idx.msk [tilespmem:v1+s23+$0x350 ss:$0x1], $0xffff  }
0x97: {  	[tilespmem:v0+s25+$0x1870 ss:$0x1] =	vst.idx.msk $0xffff, v5;
	v5 =	vld.idx.msk [tilespmem:v1+s23+$0x360 ss:$0x1], $0xffff  }
0x98: {  	[tilespmem:v0+s24+$0x1800 ss:$0x1] =	vst.idx.msk $0xffff, v7;
	v10 =	vld.idx.msk [tilespmem:v1+s26+$0x3A0 ss:$0x1], $0xffff  }
0x99: {  	v7 =	vld.idx.msk [tilespmem:v1+s26+$0x390 ss:$0x1], $0xffff;
	[tilespmem:v0+s24+$0x1810 ss:$0x1] =	vst.idx.msk $0xffff, v3  }
0x9a: {  	v3 =	vld.idx.msk [tilespmem:v1+s26+$0x380 ss:$0x1], $0xffff;
	[tilespmem:v0+s24+$0x1820 ss:$0x1] =	vst.idx.msk $0xffff, v9  }
0x9b: {  	v11 =	vld.idx.msk [tilespmem:v1+s26+$0x3C0 ss:$0x1], $0xffff;
	[tilespmem:v0+s24+$0x1830 ss:$0x1] =	vst.idx.msk $0xffff, v2  }
0x9c: {  	v12 =	vld.idx.msk [tilespmem:v1+s26+$0x3D0 ss:$0x1], $0xffff;
	[tilespmem:v0+s24+$0x1840 ss:$0x1] =	vst.idx.msk $0xffff, v6  }
0x9d: {  	v13 =	vld.idx.msk [tilespmem:v1+s26+$0x3E0 ss:$0x1], $0xffff;
	[tilespmem:v0+s24+$0x1850 ss:$0x1] =	vst.idx.msk $0xffff, v8  }
0x9e: {  	v9 =	vld.idx.msk [tilespmem:v1+s26+$0x3B0 ss:$0x1], $0xffff;
	[tilespmem:v0+s24+$0x1860 ss:$0x1] =	vst.idx.msk $0xffff, v5  }
0x9f: {  	v8 =	vld.idx.msk [tilespmem:v1+s26+$0x3F0 ss:$0x1], $0xffff;
	[tilespmem:v0+s24+$0x1870 ss:$0x1] =	vst.idx.msk $0xffff, v4  }
0xa0: {  	[tilespmem:v0+s25+$0x1C00 ss:$0x1] =	vst.idx.msk $0xffff, v3;
	v2 =	vld.idx.msk [tilespmem:v1+s23+$0x3F0 ss:$0x1], $0xffff  }
0xa1: {  	[tilespmem:v0+s25+$0x1C10 ss:$0x1] =	vst.idx.msk $0xffff, v7;
	v3 =	vld.idx.msk [tilespmem:v1+s23+$0x3A0 ss:$0x1], $0xffff  }
0xa2: {  	[tilespmem:v0+s25+$0x1C20 ss:$0x1] =	vst.idx.msk $0xffff, v10;
	v7 =	vld.idx.msk [tilespmem:v1+s23+$0x390 ss:$0x1], $0xffff  }
0xa3: {  	v6 =	vld.idx.msk [tilespmem:v1+s23+$0x3B0 ss:$0x1], $0xffff;
	[tilespmem:v0+s25+$0x1C30 ss:$0x1] =	vst.idx.msk $0xffff, v9  }
0xa4: {  	v4 =	vld.idx.msk [tilespmem:v1+s23+$0x3C0 ss:$0x1], $0xffff;
	[tilespmem:v0+s25+$0x1C40 ss:$0x1] =	vst.idx.msk $0xffff, v11  }
0xa5: {  	v9 =	vld.idx.msk [tilespmem:v1+s23+$0x380 ss:$0x1], $0xffff;
	[tilespmem:v0+s25+$0x1C50 ss:$0x1] =	vst.idx.msk $0xffff, v12  }
0xa6: {  	s29 =	simm.s32 $0x2;
	v5 =	vld.idx.msk [tilespmem:v1+s23+$0x3D0 ss:$0x1], $0xffff;
	[tilespmem:v0+s25+$0x1C60 ss:$0x1] =	vst.idx.msk $0xffff, v13  }
.LBB2_3:
0xa7: {  	s28 =	sshll.u32 s29, $0xA  }
0xa8: {  	s30 =	sor.u32 $0x1, s29;
	[tilespmem:v0+s25+$0x1C70 ss:$0x1] =	vst.idx.msk $0xffff, v8;
	v8 =	vld.idx.msk [tilespmem:v1+s23+$0x3E0 ss:$0x1], $0xffff;
	s25 =	smov.u32 s29;
	s26 =	sadd.s32 $0x2, s29  }
0xa9: {  	s28 =	sand.u32 $0x3FFFFC00, s28;
	s23 =	sshll.u32 s30, $0xA;
	s30 =	sshll.u32 s30, $0x7  }
0xaa: {  	p0 =	slt.u32 s29, $0x6;
	v10 =	vld.idx.msk [tilespmem:v1+s28+$0x70 ss:$0x1], $0xffff;
	s23 =	sand.u32 $0x3FFFFC00, s23;
	[tilespmem:v0+s24+$0x1C00 ss:$0x1] =	vst.idx.msk $0xffff, v9  }
0xab: {  	v9 =	vld.idx.msk [tilespmem:v1+s28+$0x40 ss:$0x1], $0xffff;
	[tilespmem:v0+s24+$0x1C10 ss:$0x1] =	vst.idx.msk $0xffff, v7  }
0xac: {  	v7 =	vld.idx.msk [tilespmem:v1+s28+$0x0 ss:$0x1], $0xffff;
	[tilespmem:v0+s24+$0x1C20 ss:$0x1] =	vst.idx.msk $0xffff, v3  }
0xad: {  	v3 =	vld.idx.msk [tilespmem:v1+s23+$0x20 ss:$0x1], $0xffff;
	[tilespmem:v0+s24+$0x1C30 ss:$0x1] =	vst.idx.msk $0xffff, v6  }
0xae: {  	v6 =	vld.idx.msk [tilespmem:v1+s28+$0x10 ss:$0x1], $0xffff;
	[tilespmem:v0+s24+$0x1C40 ss:$0x1] =	vst.idx.msk $0xffff, v4  }
0xaf: {  	v4 =	vld.idx.msk [tilespmem:v1+s28+$0x20 ss:$0x1], $0xffff;
	[tilespmem:v0+s24+$0x1C50 ss:$0x1] =	vst.idx.msk $0xffff, v5  }
0xb0: {  	v5 =	vld.idx.msk [tilespmem:v1+s28+$0x30 ss:$0x1], $0xffff;
	[tilespmem:v0+s24+$0x1C60 ss:$0x1] =	vst.idx.msk $0xffff, v8  }
0xb1: {  	s25 =	sshll.u32 s25, $0x7;
	v8 =	vld.idx.msk [tilespmem:v1+s28+$0x60 ss:$0x1], $0xffff;
	[tilespmem:v0+s24+$0x1C70 ss:$0x1] =	vst.idx.msk $0xffff, v2  }
0xb2: {  	s25 =	sand.u32 $0x3FFFFF80, s25;
	v2 =	vld.idx.msk [tilespmem:v1+s28+$0x50 ss:$0x1], $0xffff  }
0xb3: {  	[tilespmem:v0+s25+$0x0 ss:$0x1] =	vst.idx.msk $0xffff, v7;
	v7 =	vld.idx.msk [tilespmem:v1+s23+$0x0 ss:$0x1], $0xffff  }
0xb4: {  	[tilespmem:v0+s25+$0x10 ss:$0x1] =	vst.idx.msk $0xffff, v6  }
0xb5: {  	[tilespmem:v0+s25+$0x20 ss:$0x1] =	vst.idx.msk $0xffff, v4;
	v4 =	vld.idx.msk [tilespmem:v1+s23+$0x70 ss:$0x1], $0xffff  }
0xb6: {  	[tilespmem:v0+s25+$0x30 ss:$0x1] =	vst.idx.msk $0xffff, v5;
	v5 =	vld.idx.msk [tilespmem:v1+s23+$0x10 ss:$0x1], $0xffff  }
0xb7: {  	[tilespmem:v0+s25+$0x40 ss:$0x1] =	vst.idx.msk $0xffff, v9;
	v6 =	vld.idx.msk [tilespmem:v1+s23+$0x60 ss:$0x1], $0xffff  }
0xb8: {  	[tilespmem:v0+s25+$0x50 ss:$0x1] =	vst.idx.msk $0xffff, v2;
	v2 =	vld.idx.msk [tilespmem:v1+s23+$0x30 ss:$0x1], $0xffff  }
0xb9: {  	[tilespmem:v0+s25+$0x60 ss:$0x1] =	vst.idx.msk $0xffff, v8;
	v8 =	vld.idx.msk [tilespmem:v1+s23+$0x40 ss:$0x1], $0xffff  }
0xba: {  	s24 =	sand.u32 $0x3FFFFF80, s30;
	[tilespmem:v0+s25+$0x70 ss:$0x1] =	vst.idx.msk $0xffff, v10;
	v9 =	vld.idx.msk [tilespmem:v1+s23+$0x50 ss:$0x1], $0xffff  }
0xbb: {  	v10 =	vld.idx.msk [tilespmem:v1+s28+$0xA0 ss:$0x1], $0xffff;
	[tilespmem:v0+s24+$0x0 ss:$0x1] =	vst.idx.msk $0xffff, v7  }
0xbc: {  	v7 =	vld.idx.msk [tilespmem:v1+s28+$0x90 ss:$0x1], $0xffff;
	[tilespmem:v0+s24+$0x10 ss:$0x1] =	vst.idx.msk $0xffff, v5  }
0xbd: {  	v5 =	vld.idx.msk [tilespmem:v1+s28+$0x80 ss:$0x1], $0xffff;
	[tilespmem:v0+s24+$0x20 ss:$0x1] =	vst.idx.msk $0xffff, v3  }
0xbe: {  	v3 =	vld.idx.msk [tilespmem:v1+s28+$0xB0 ss:$0x1], $0xffff;
	[tilespmem:v0+s24+$0x30 ss:$0x1] =	vst.idx.msk $0xffff, v2  }
0xbf: {  	v2 =	vld.idx.msk [tilespmem:v1+s28+$0xC0 ss:$0x1], $0xffff;
	[tilespmem:v0+s24+$0x40 ss:$0x1] =	vst.idx.msk $0xffff, v8  }
0xc0: {  	v8 =	vld.idx.msk [tilespmem:v1+s28+$0xD0 ss:$0x1], $0xffff;
	[tilespmem:v0+s24+$0x50 ss:$0x1] =	vst.idx.msk $0xffff, v9  }
0xc1: {  	v9 =	vld.idx.msk [tilespmem:v1+s28+$0xE0 ss:$0x1], $0xffff;
	[tilespmem:v0+s24+$0x60 ss:$0x1] =	vst.idx.msk $0xffff, v6  }
0xc2: {  	v6 =	vld.idx.msk [tilespmem:v1+s28+$0xF0 ss:$0x1], $0xffff;
	[tilespmem:v0+s24+$0x70 ss:$0x1] =	vst.idx.msk $0xffff, v4  }
0xc3: {  	[tilespmem:v0+s25+$0x400 ss:$0x1] =	vst.idx.msk $0xffff, v5;
	v4 =	vld.idx.msk [tilespmem:v1+s23+$0x80 ss:$0x1], $0xffff  }
0xc4: {  	[tilespmem:v0+s25+$0x410 ss:$0x1] =	vst.idx.msk $0xffff, v7;
	v5 =	vld.idx.msk [tilespmem:v1+s23+$0xF0 ss:$0x1], $0xffff  }
0xc5: {  	[tilespmem:v0+s25+$0x420 ss:$0x1] =	vst.idx.msk $0xffff, v10;
	v7 =	vld.idx.msk [tilespmem:v1+s23+$0xE0 ss:$0x1], $0xffff  }
0xc6: {  	[tilespmem:v0+s25+$0x430 ss:$0x1] =	vst.idx.msk $0xffff, v3;
	v3 =	vld.idx.msk [tilespmem:v1+s23+$0x90 ss:$0x1], $0xffff  }
0xc7: {  	[tilespmem:v0+s25+$0x440 ss:$0x1] =	vst.idx.msk $0xffff, v2;
	v2 =	vld.idx.msk [tilespmem:v1+s23+$0xA0 ss:$0x1], $0xffff  }
0xc8: {  	[tilespmem:v0+s25+$0x450 ss:$0x1] =	vst.idx.msk $0xffff, v8;
	v8 =	vld.idx.msk [tilespmem:v1+s23+$0xB0 ss:$0x1], $0xffff  }
0xc9: {  	[tilespmem:v0+s25+$0x460 ss:$0x1] =	vst.idx.msk $0xffff, v9;
	v9 =	vld.idx.msk [tilespmem:v1+s23+$0xC0 ss:$0x1], $0xffff  }
0xca: {  	[tilespmem:v0+s25+$0x470 ss:$0x1] =	vst.idx.msk $0xffff, v6;
	v6 =	vld.idx.msk [tilespmem:v1+s23+$0xD0 ss:$0x1], $0xffff  }
0xcb: {  	v10 =	vld.idx.msk [tilespmem:v1+s28+$0x120 ss:$0x1], $0xffff;
	[tilespmem:v0+s24+$0x400 ss:$0x1] =	vst.idx.msk $0xffff, v4  }
0xcc: {  	v4 =	vld.idx.msk [tilespmem:v1+s28+$0x110 ss:$0x1], $0xffff;
	[tilespmem:v0+s24+$0x410 ss:$0x1] =	vst.idx.msk $0xffff, v3  }
0xcd: {  	v3 =	vld.idx.msk [tilespmem:v1+s28+$0x100 ss:$0x1], $0xffff;
	[tilespmem:v0+s24+$0x420 ss:$0x1] =	vst.idx.msk $0xffff, v2  }
0xce: {  	v2 =	vld.idx.msk [tilespmem:v1+s28+$0x130 ss:$0x1], $0xffff;
	[tilespmem:v0+s24+$0x430 ss:$0x1] =	vst.idx.msk $0xffff, v8  }
0xcf: {  	v8 =	vld.idx.msk [tilespmem:v1+s28+$0x140 ss:$0x1], $0xffff;
	[tilespmem:v0+s24+$0x440 ss:$0x1] =	vst.idx.msk $0xffff, v9  }
0xd0: {  	v9 =	vld.idx.msk [tilespmem:v1+s28+$0x150 ss:$0x1], $0xffff;
	[tilespmem:v0+s24+$0x450 ss:$0x1] =	vst.idx.msk $0xffff, v6  }
0xd1: {  	v6 =	vld.idx.msk [tilespmem:v1+s28+$0x160 ss:$0x1], $0xffff;
	[tilespmem:v0+s24+$0x460 ss:$0x1] =	vst.idx.msk $0xffff, v7  }
0xd2: {  	v7 =	vld.idx.msk [tilespmem:v1+s28+$0x170 ss:$0x1], $0xffff;
	[tilespmem:v0+s24+$0x470 ss:$0x1] =	vst.idx.msk $0xffff, v5  }
0xd3: {  	[tilespmem:v0+s25+$0x800 ss:$0x1] =	vst.idx.msk $0xffff, v3;
	v3 =	vld.idx.msk [tilespmem:v1+s23+$0x100 ss:$0x1], $0xffff  }
0xd4: {  	[tilespmem:v0+s25+$0x810 ss:$0x1] =	vst.idx.msk $0xffff, v4;
	v4 =	vld.idx.msk [tilespmem:v1+s23+$0x170 ss:$0x1], $0xffff  }
0xd5: {  	[tilespmem:v0+s25+$0x820 ss:$0x1] =	vst.idx.msk $0xffff, v10;
	v5 =	vld.idx.msk [tilespmem:v1+s23+$0x160 ss:$0x1], $0xffff  }
0xd6: {  	[tilespmem:v0+s25+$0x830 ss:$0x1] =	vst.idx.msk $0xffff, v2;
	v2 =	vld.idx.msk [tilespmem:v1+s23+$0x110 ss:$0x1], $0xffff  }
0xd7: {  	[tilespmem:v0+s25+$0x840 ss:$0x1] =	vst.idx.msk $0xffff, v8;
	v8 =	vld.idx.msk [tilespmem:v1+s23+$0x120 ss:$0x1], $0xffff  }
0xd8: {  	[tilespmem:v0+s25+$0x850 ss:$0x1] =	vst.idx.msk $0xffff, v9;
	v9 =	vld.idx.msk [tilespmem:v1+s23+$0x130 ss:$0x1], $0xffff  }
0xd9: {  	[tilespmem:v0+s25+$0x860 ss:$0x1] =	vst.idx.msk $0xffff, v6;
	v6 =	vld.idx.msk [tilespmem:v1+s23+$0x140 ss:$0x1], $0xffff  }
0xda: {  	[tilespmem:v0+s25+$0x870 ss:$0x1] =	vst.idx.msk $0xffff, v7;
	v7 =	vld.idx.msk [tilespmem:v1+s23+$0x150 ss:$0x1], $0xffff  }
0xdb: {  	v10 =	vld.idx.msk [tilespmem:v1+s28+$0x1B0 ss:$0x1], $0xffff;
	[tilespmem:v0+s24+$0x800 ss:$0x1] =	vst.idx.msk $0xffff, v3  }
0xdc: {  	v3 =	vld.idx.msk [tilespmem:v1+s28+$0x1A0 ss:$0x1], $0xffff;
	[tilespmem:v0+s24+$0x810 ss:$0x1] =	vst.idx.msk $0xffff, v2  }
0xdd: {  	v2 =	vld.idx.msk [tilespmem:v1+s28+$0x190 ss:$0x1], $0xffff;
	[tilespmem:v0+s24+$0x820 ss:$0x1] =	vst.idx.msk $0xffff, v8  }
0xde: {  	v8 =	vld.idx.msk [tilespmem:v1+s28+$0x180 ss:$0x1], $0xffff;
	[tilespmem:v0+s24+$0x830 ss:$0x1] =	vst.idx.msk $0xffff, v9  }
0xdf: {  	v9 =	vld.idx.msk [tilespmem:v1+s28+$0x1C0 ss:$0x1], $0xffff;
	[tilespmem:v0+s24+$0x840 ss:$0x1] =	vst.idx.msk $0xffff, v6  }
0xe0: {  	v6 =	vld.idx.msk [tilespmem:v1+s28+$0x1D0 ss:$0x1], $0xffff;
	[tilespmem:v0+s24+$0x850 ss:$0x1] =	vst.idx.msk $0xffff, v7  }
0xe1: {  	v7 =	vld.idx.msk [tilespmem:v1+s28+$0x1E0 ss:$0x1], $0xffff;
	[tilespmem:v0+s24+$0x860 ss:$0x1] =	vst.idx.msk $0xffff, v5  }
0xe2: {  	[tilespmem:v0+s24+$0x870 ss:$0x1] =	vst.idx.msk $0xffff, v4  }
0xe3: {  	v4 =	vld.idx.msk [tilespmem:v1+s28+$0x1F0 ss:$0x1], $0xffff  }
0xe4: {  	[tilespmem:v0+s25+$0xC00 ss:$0x1] =	vst.idx.msk $0xffff, v8;
	v5 =	vld.idx.msk [tilespmem:v1+s23+$0x180 ss:$0x1], $0xffff  }
0xe5: {  	[tilespmem:v0+s25+$0xC10 ss:$0x1] =	vst.idx.msk $0xffff, v2;
	v2 =	vld.idx.msk [tilespmem:v1+s23+$0x1F0 ss:$0x1], $0xffff  }
0xe6: {  	[tilespmem:v0+s25+$0xC20 ss:$0x1] =	vst.idx.msk $0xffff, v3;
	v3 =	vld.idx.msk [tilespmem:v1+s23+$0x1E0 ss:$0x1], $0xffff  }
0xe7: {  	[tilespmem:v0+s25+$0xC30 ss:$0x1] =	vst.idx.msk $0xffff, v10;
	v8 =	vld.idx.msk [tilespmem:v1+s23+$0x190 ss:$0x1], $0xffff  }
0xe8: {  	[tilespmem:v0+s25+$0xC40 ss:$0x1] =	vst.idx.msk $0xffff, v9;
	v9 =	vld.idx.msk [tilespmem:v1+s23+$0x1A0 ss:$0x1], $0xffff  }
0xe9: {  	[tilespmem:v0+s25+$0xC50 ss:$0x1] =	vst.idx.msk $0xffff, v6;
	v6 =	vld.idx.msk [tilespmem:v1+s23+$0x1B0 ss:$0x1], $0xffff  }
0xea: {  	[tilespmem:v0+s25+$0xC60 ss:$0x1] =	vst.idx.msk $0xffff, v7;
	v7 =	vld.idx.msk [tilespmem:v1+s23+$0x1C0 ss:$0x1], $0xffff  }
0xeb: {  	[tilespmem:v0+s25+$0xC70 ss:$0x1] =	vst.idx.msk $0xffff, v4;
	v4 =	vld.idx.msk [tilespmem:v1+s23+$0x1D0 ss:$0x1], $0xffff  }
0xec: {  	v10 =	vld.idx.msk [tilespmem:v1+s28+$0x260 ss:$0x1], $0xffff;
	[tilespmem:v0+s24+$0xC00 ss:$0x1] =	vst.idx.msk $0xffff, v5  }
0xed: {  	v5 =	vld.idx.msk [tilespmem:v1+s28+$0x210 ss:$0x1], $0xffff;
	[tilespmem:v0+s24+$0xC10 ss:$0x1] =	vst.idx.msk $0xffff, v8  }
0xee: {  	v8 =	vld.idx.msk [tilespmem:v1+s28+$0x200 ss:$0x1], $0xffff;
	[tilespmem:v0+s24+$0xC20 ss:$0x1] =	vst.idx.msk $0xffff, v9  }
0xef: {  	v9 =	vld.idx.msk [tilespmem:v1+s28+$0x220 ss:$0x1], $0xffff;
	[tilespmem:v0+s24+$0xC30 ss:$0x1] =	vst.idx.msk $0xffff, v6  }
0xf0: {  	v6 =	vld.idx.msk [tilespmem:v1+s28+$0x230 ss:$0x1], $0xffff;
	[tilespmem:v0+s24+$0xC40 ss:$0x1] =	vst.idx.msk $0xffff, v7  }
0xf1: {  	v7 =	vld.idx.msk [tilespmem:v1+s28+$0x240 ss:$0x1], $0xffff;
	[tilespmem:v0+s24+$0xC50 ss:$0x1] =	vst.idx.msk $0xffff, v4  }
0xf2: {  	v4 =	vld.idx.msk [tilespmem:v1+s28+$0x250 ss:$0x1], $0xffff;
	[tilespmem:v0+s24+$0xC60 ss:$0x1] =	vst.idx.msk $0xffff, v3  }
0xf3: {  	v3 =	vld.idx.msk [tilespmem:v1+s28+$0x270 ss:$0x1], $0xffff;
	[tilespmem:v0+s24+$0xC70 ss:$0x1] =	vst.idx.msk $0xffff, v2  }
0xf4: {  	[tilespmem:v0+s25+$0x1000 ss:$0x1] =	vst.idx.msk $0xffff, v8;
	v2 =	vld.idx.msk [tilespmem:v1+s23+$0x200 ss:$0x1], $0xffff  }
0xf5: {  	[tilespmem:v0+s25+$0x1010 ss:$0x1] =	vst.idx.msk $0xffff, v5;
	v5 =	vld.idx.msk [tilespmem:v1+s23+$0x210 ss:$0x1], $0xffff  }
0xf6: {  	[tilespmem:v0+s25+$0x1020 ss:$0x1] =	vst.idx.msk $0xffff, v9;
	v8 =	vld.idx.msk [tilespmem:v1+s23+$0x260 ss:$0x1], $0xffff  }
0xf7: {  	[tilespmem:v0+s25+$0x1030 ss:$0x1] =	vst.idx.msk $0xffff, v6;
	v6 =	vld.idx.msk [tilespmem:v1+s23+$0x220 ss:$0x1], $0xffff  }
0xf8: {  	[tilespmem:v0+s25+$0x1040 ss:$0x1] =	vst.idx.msk $0xffff, v7;
	v7 =	vld.idx.msk [tilespmem:v1+s23+$0x230 ss:$0x1], $0xffff  }
0xf9: {  	[tilespmem:v0+s25+$0x1050 ss:$0x1] =	vst.idx.msk $0xffff, v4;
	v4 =	vld.idx.msk [tilespmem:v1+s23+$0x240 ss:$0x1], $0xffff  }
0xfa: {  	[tilespmem:v0+s25+$0x1060 ss:$0x1] =	vst.idx.msk $0xffff, v10;
	v9 =	vld.idx.msk [tilespmem:v1+s23+$0x250 ss:$0x1], $0xffff  }
0xfb: {  	[tilespmem:v0+s25+$0x1070 ss:$0x1] =	vst.idx.msk $0xffff, v3;
	v3 =	vld.idx.msk [tilespmem:v1+s23+$0x270 ss:$0x1], $0xffff  }
0xfc: {  	v10 =	vld.idx.msk [tilespmem:v1+s28+$0x2B0 ss:$0x1], $0xffff;
	[tilespmem:v0+s24+$0x1000 ss:$0x1] =	vst.idx.msk $0xffff, v2  }
0xfd: {  	v2 =	vld.idx.msk [tilespmem:v1+s28+$0x290 ss:$0x1], $0xffff;
	[tilespmem:v0+s24+$0x1010 ss:$0x1] =	vst.idx.msk $0xffff, v5  }
0xfe: {  	v5 =	vld.idx.msk [tilespmem:v1+s28+$0x280 ss:$0x1], $0xffff;
	[tilespmem:v0+s24+$0x1020 ss:$0x1] =	vst.idx.msk $0xffff, v6  }
0xff: {  	v6 =	vld.idx.msk [tilespmem:v1+s28+$0x2A0 ss:$0x1], $0xffff;
	[tilespmem:v0+s24+$0x1030 ss:$0x1] =	vst.idx.msk $0xffff, v7  }
0x100: {  	v7 =	vld.idx.msk [tilespmem:v1+s28+$0x2E0 ss:$0x1], $0xffff;
	[tilespmem:v0+s24+$0x1040 ss:$0x1] =	vst.idx.msk $0xffff, v4  }
0x101: {  	v4 =	vld.idx.msk [tilespmem:v1+s28+$0x2F0 ss:$0x1], $0xffff;
	[tilespmem:v0+s24+$0x1050 ss:$0x1] =	vst.idx.msk $0xffff, v9  }
0x102: {  	v9 =	vld.idx.msk [tilespmem:v1+s28+$0x2C0 ss:$0x1], $0xffff;
	[tilespmem:v0+s24+$0x1060 ss:$0x1] =	vst.idx.msk $0xffff, v8  }
0x103: {  	v8 =	vld.idx.msk [tilespmem:v1+s28+$0x2D0 ss:$0x1], $0xffff;
	[tilespmem:v0+s24+$0x1070 ss:$0x1] =	vst.idx.msk $0xffff, v3  }
0x104: {  	[tilespmem:v0+s25+$0x1400 ss:$0x1] =	vst.idx.msk $0xffff, v5;
	v3 =	vld.idx.msk [tilespmem:v1+s23+$0x2F0 ss:$0x1], $0xffff  }
0x105: {  	[tilespmem:v0+s25+$0x1410 ss:$0x1] =	vst.idx.msk $0xffff, v2;
	v2 =	vld.idx.msk [tilespmem:v1+s23+$0x290 ss:$0x1], $0xffff  }
0x106: {  	[tilespmem:v0+s25+$0x1420 ss:$0x1] =	vst.idx.msk $0xffff, v6;
	v5 =	vld.idx.msk [tilespmem:v1+s23+$0x280 ss:$0x1], $0xffff  }
0x107: {  	[tilespmem:v0+s25+$0x1430 ss:$0x1] =	vst.idx.msk $0xffff, v10;
	v6 =	vld.idx.msk [tilespmem:v1+s23+$0x2D0 ss:$0x1], $0xffff  }
0x108: {  	[tilespmem:v0+s25+$0x1440 ss:$0x1] =	vst.idx.msk $0xffff, v9;
	v9 =	vld.idx.msk [tilespmem:v1+s23+$0x2A0 ss:$0x1], $0xffff  }
0x109: {  	[tilespmem:v0+s25+$0x1450 ss:$0x1] =	vst.idx.msk $0xffff, v8;
	v8 =	vld.idx.msk [tilespmem:v1+s23+$0x2B0 ss:$0x1], $0xffff  }
0x10a: {  	[tilespmem:v0+s25+$0x1460 ss:$0x1] =	vst.idx.msk $0xffff, v7;
	v7 =	vld.idx.msk [tilespmem:v1+s23+$0x2C0 ss:$0x1], $0xffff  }
0x10b: {  	[tilespmem:v0+s25+$0x1470 ss:$0x1] =	vst.idx.msk $0xffff, v4;
	v4 =	vld.idx.msk [tilespmem:v1+s23+$0x2E0 ss:$0x1], $0xffff  }
0x10c: {  	v10 =	vld.idx.msk [tilespmem:v1+s28+$0x320 ss:$0x1], $0xffff;
	[tilespmem:v0+s24+$0x1400 ss:$0x1] =	vst.idx.msk $0xffff, v5  }
0x10d: {  	v5 =	vld.idx.msk [tilespmem:v1+s28+$0x310 ss:$0x1], $0xffff;
	[tilespmem:v0+s24+$0x1410 ss:$0x1] =	vst.idx.msk $0xffff, v2  }
0x10e: {  	v2 =	vld.idx.msk [tilespmem:v1+s28+$0x300 ss:$0x1], $0xffff;
	[tilespmem:v0+s24+$0x1420 ss:$0x1] =	vst.idx.msk $0xffff, v9  }
0x10f: {  	v9 =	vld.idx.msk [tilespmem:v1+s28+$0x330 ss:$0x1], $0xffff;
	[tilespmem:v0+s24+$0x1430 ss:$0x1] =	vst.idx.msk $0xffff, v8  }
0x110: {  	v8 =	vld.idx.msk [tilespmem:v1+s28+$0x340 ss:$0x1], $0xffff;
	[tilespmem:v0+s24+$0x1440 ss:$0x1] =	vst.idx.msk $0xffff, v7  }
0x111: {  	v7 =	vld.idx.msk [tilespmem:v1+s28+$0x350 ss:$0x1], $0xffff;
	[tilespmem:v0+s24+$0x1450 ss:$0x1] =	vst.idx.msk $0xffff, v6  }
0x112: {  	v6 =	vld.idx.msk [tilespmem:v1+s28+$0x360 ss:$0x1], $0xffff;
	[tilespmem:v0+s24+$0x1460 ss:$0x1] =	vst.idx.msk $0xffff, v4  }
0x113: {  	v4 =	vld.idx.msk [tilespmem:v1+s28+$0x370 ss:$0x1], $0xffff;
	[tilespmem:v0+s24+$0x1470 ss:$0x1] =	vst.idx.msk $0xffff, v3  }
0x114: {  	[tilespmem:v0+s25+$0x1800 ss:$0x1] =	vst.idx.msk $0xffff, v2;
	v2 =	vld.idx.msk [tilespmem:v1+s23+$0x370 ss:$0x1], $0xffff  }
0x115: {  	[tilespmem:v0+s25+$0x1810 ss:$0x1] =	vst.idx.msk $0xffff, v5;
	v3 =	vld.idx.msk [tilespmem:v1+s23+$0x310 ss:$0x1], $0xffff  }
0x116: {  	[tilespmem:v0+s25+$0x1820 ss:$0x1] =	vst.idx.msk $0xffff, v10;
	v5 =	vld.idx.msk [tilespmem:v1+s23+$0x300 ss:$0x1], $0xffff  }
0x117: {  	[tilespmem:v0+s25+$0x1830 ss:$0x1] =	vst.idx.msk $0xffff, v9;
	v9 =	vld.idx.msk [tilespmem:v1+s23+$0x320 ss:$0x1], $0xffff  }
0x118: {  	[tilespmem:v0+s25+$0x1840 ss:$0x1] =	vst.idx.msk $0xffff, v8;
	v8 =	vld.idx.msk [tilespmem:v1+s23+$0x330 ss:$0x1], $0xffff  }
0x119: {  	[tilespmem:v0+s25+$0x1850 ss:$0x1] =	vst.idx.msk $0xffff, v7;
	v7 =	vld.idx.msk [tilespmem:v1+s23+$0x340 ss:$0x1], $0xffff  }
0x11a: {  	[tilespmem:v0+s25+$0x1860 ss:$0x1] =	vst.idx.msk $0xffff, v6;
	v6 =	vld.idx.msk [tilespmem:v1+s23+$0x350 ss:$0x1], $0xffff  }
0x11b: {  	[tilespmem:v0+s25+$0x1870 ss:$0x1] =	vst.idx.msk $0xffff, v4;
	v4 =	vld.idx.msk [tilespmem:v1+s23+$0x360 ss:$0x1], $0xffff  }
0x11c: {  	v10 =	vld.idx.msk [tilespmem:v1+s28+$0x3A0 ss:$0x1], $0xffff;
	[tilespmem:v0+s24+$0x1800 ss:$0x1] =	vst.idx.msk $0xffff, v5  }
0x11d: {  	v5 =	vld.idx.msk [tilespmem:v1+s28+$0x390 ss:$0x1], $0xffff;
	[tilespmem:v0+s24+$0x1810 ss:$0x1] =	vst.idx.msk $0xffff, v3  }
0x11e: {  	v3 =	vld.idx.msk [tilespmem:v1+s28+$0x380 ss:$0x1], $0xffff;
	[tilespmem:v0+s24+$0x1820 ss:$0x1] =	vst.idx.msk $0xffff, v9  }
0x11f: {  	v9 =	vld.idx.msk [tilespmem:v1+s28+$0x3B0 ss:$0x1], $0xffff;
	[tilespmem:v0+s24+$0x1830 ss:$0x1] =	vst.idx.msk $0xffff, v8  }
0x120: {  	v11 =	vld.idx.msk [tilespmem:v1+s28+$0x3C0 ss:$0x1], $0xffff;
	[tilespmem:v0+s24+$0x1840 ss:$0x1] =	vst.idx.msk $0xffff, v7  }
0x121: {  	v12 =	vld.idx.msk [tilespmem:v1+s28+$0x3D0 ss:$0x1], $0xffff;
	[tilespmem:v0+s24+$0x1850 ss:$0x1] =	vst.idx.msk $0xffff, v6  }
0x122: {  	v13 =	vld.idx.msk [tilespmem:v1+s28+$0x3E0 ss:$0x1], $0xffff;
	[tilespmem:v0+s24+$0x1860 ss:$0x1] =	vst.idx.msk $0xffff, v4  }
0x123: {  	v8 =	vld.idx.msk [tilespmem:v1+s28+$0x3F0 ss:$0x1], $0xffff;
	[tilespmem:v0+s24+$0x1870 ss:$0x1] =	vst.idx.msk $0xffff, v2  }
0x124: {  	[tilespmem:v0+s25+$0x1C00 ss:$0x1] =	vst.idx.msk $0xffff, v3;
	v2 =	vld.idx.msk [tilespmem:v1+s23+$0x3F0 ss:$0x1], $0xffff  }
0x125: {  	[tilespmem:v0+s25+$0x1C10 ss:$0x1] =	vst.idx.msk $0xffff, v5;
	v3 =	vld.idx.msk [tilespmem:v1+s23+$0x3A0 ss:$0x1], $0xffff  }
.Ltmp0:
0x126: {  	[tilespmem:v0+s25+$0x1C20 ss:$0x1] =	vst.idx.msk $0xffff, v10;
	v7 =	vld.idx.msk [tilespmem:v1+s23+$0x390 ss:$0x1], $0xffff;
	(pc) =	sbr.rel @p0 .LBB2_3-.Ltmp0, $4  }
0x127: {  	[tilespmem:v0+s25+$0x1C30 ss:$0x1] =	vst.idx.msk $0xffff, v9;
	v9 =	vld.idx.msk [tilespmem:v1+s23+$0x380 ss:$0x1], $0xffff  }
0x128: {  	[tilespmem:v0+s25+$0x1C40 ss:$0x1] =	vst.idx.msk $0xffff, v11;
	v6 =	vld.idx.msk [tilespmem:v1+s23+$0x3B0 ss:$0x1], $0xffff  }
0x129: {  	[tilespmem:v0+s25+$0x1C50 ss:$0x1] =	vst.idx.msk $0xffff, v12;
	v4 =	vld.idx.msk [tilespmem:v1+s23+$0x3C0 ss:$0x1], $0xffff  }
0x12a: {  	s29 =	smov.u32 s26;
	[tilespmem:v0+s25+$0x1C60 ss:$0x1] =	vst.idx.msk $0xffff, v13;
	v5 =	vld.idx.msk [tilespmem:v1+s23+$0x3D0 ss:$0x1], $0xffff  }
0x12b: {  	s26 =	smulhi.u32 $0x24924925, s21;
	_ =	sdelay $0x1  }
0x12c: {  	s28 =	ssub.s32 s21, s26  }
0x12d: {  	s28 =	sshrl.u32 s28, $0x1  }
0x12e: {  	[tilespmem:v0+s25+$0x1C70 ss:$0x1] =	vst.idx.msk $0xffff, v8;
	s30 =	sadd.s32 s26, s28  }
0x12f: {  	v1 =	vld.idx.msk [tilespmem:v1+s23+$0x3E0 ss:$0x1], $0xffff;
	p0 =	sgt.u32 s21, $0xDA;
	[tilespmem:v0+s24+$0x1C00 ss:$0x1] =	vst.idx.msk $0xffff, v9;
	s23 =	sshrl.u32 s30, $0x2  }
0x130: {  	[tilespmem:v0+s24+$0x1C10 ss:$0x1] =	vst.idx.msk $0xffff, v7;
	s26 =	sadd.s32 @!p0 $0x5, s21;
	s31 =	sadd.s32 s5, s23;
	s23 =	smul.u32 $0x7, s23  }
0x131: {  	[tilespmem:v0+s24+$0x1C20 ss:$0x1] =	vst.idx.msk $0xffff, v3;
	s28 =	smul.u32 @!p0 $0xAB, s26  }
0x132: {  	[tilespmem:v0+s24+$0x1C30 ss:$0x1] =	vst.idx.msk $0xffff, v6;
	s25 =	smul.u32 $0xE000, s31;
	s23 =	ssub.s32 s21, s23  }
0x133: {  	[tilespmem:v0+s24+$0x1C40 ss:$0x1] =	vst.idx.msk $0xffff, v4;
	s23 =	sshll.u32 s23, $0xD  }
0x134: {  	[tilespmem:v0+s24+$0x1C50 ss:$0x1] =	vst.idx.msk $0xffff, v5;
	s23 =	sadd.s32 s23, s25;
	s25 =	sshrl.u32 @!p0 s28, $0xA  }
0x135: {  	[tilespmem:v0+s24+$0x1C60 ss:$0x1] =	vst.idx.msk $0xffff, v1;
	s23 =	sshrl.u32 s23, $0x3;
	s25 =	sand.u32 @!p0 $0x3F, s25  }
0x136: {  	[tilespmem:v0+s24+$0x1C70 ss:$0x1] =	vst.idx.msk $0xffff, v2;
	s23 =	sadd.s32 s3, s23;
	s24 =	smul.u32 @!p0 $0x6, s25  }
0x137: {  	[hbm4b:s23+s4] =	stream.linear.scatter [tilespmem:s22], [sflag:$0x2], $0x2000, $0x38;
	[tilespmem:$0x18700] =	vst v63  }
0x138: {  	s22 =	ssub.s32 @!p0 s26, s24  }
0x139: {  	s22 =	sand.u32 @!p0 $0xFF, s22  }
0x13a: {  	s21 =	sadd.s32 $0x1, s21;
	s23 =	sshll.u32 @!p0 s26, $0x3;
	s22 =	sshll.u32 @!p0 s22, $0xD  }
0x13b: {  	s23 =	sand.u32 @!p0 $0x3FFFFFF8, s23;
	s24 =	simm.s32 @!p0 $0x8;
	s22 =	sor.u32 @!p0 $0x700, s22  }
0x13c: {  	[tilespmem:s22], [sflag:$0x1] =	stream.indirect.gather @!p0 [hbm4b:s2+s24], $0x400, s23, s24, $0xb8;
	[tilespmem:$0x18700] =	vst v63  }
0x13d: {  	p0 =	sne.s32 s21, $0xE0  }
.Ltmp1:
0x13e: {  	_ = 	snop;
	(pc) =	sbr.rel @p0 .LBB2_2-.Ltmp1, $1  }
0x13f: {  	_ =	sdelay $0x3  }
0x140: {  	_ =	swait.ge [sflag:s19], $0x2000  }
0x141: {  	[sflag:s19] =	ssyncset.done $0x0  }
0x142: {  	[sflag:s19] =	ssyncadd.s32 $0xFFFFE000  }
0x143: {  	_ =	swait.ge [sflag:s19], $0x2000  }
0x144: {  	[sflag:s19] =	ssyncset.done $0x0  }
0x145: {  	[sflag:s19] =	ssyncadd.s32 $0xFFFFE000  }
0x146: {  	_ =	swait.ge [sflag:s19], $0x2000  }
0x147: {  	[sflag:s19] =	ssyncset.done $0x0  }
0x148: {  	[sflag:s19] =	ssyncadd.s32 $0xFFFFE000  }
0x149: {  	_ =	swait.ge [sflag:s19], $0x2000  }
0x14a: {  	[sflag:s19] =	ssyncset.done $0x0  }
0x14b: {  	s20 =	sadd.s32 $0x1, s20;
	[sflag:s19] =	ssyncadd.s32 $0xFFFFE000  }
0x14c: {  	p0 =	sne.s32 s20, s7;
	_ =	swait.ge [sflag:s19], $0x2000  }
.Ltmp2:
0x14d: {  	[sflag:s19] =	ssyncset.done $0x0;
	(pc) =	sbr.rel @p0 .LBB2_1-.Ltmp2, $4  }
0x14e: {  	[sflag:s19] =	ssyncadd.s32 $0xFFFFE000  }
0x14f: {  	_ =	swait.ge [sflag:s19], $0x2000  }
0x150: {  	[sflag:s19] =	ssyncset.done $0x0  }
0x151: {  	[sflag:s19] =	ssyncadd.s32 $0xFFFFE000  }
0x152: {  	_ =	sfence.sel $0x180000  }
0x153: {  	[bflag:$0x0] =	sbarrier.arrive $0xFFFF  }
0x154: {  	p0 =	sne.s32 s1, $0x0;
	_ =	strace $0x90000047  }
0x155: {  	s0 =	sadd.s32 @!p0 $0x100000, s0;
	[bflag:$0x2] =	sbarrier.arrive $0xFFFF  }
0x156: {  	[sflag:s0] =	ssyncadd.tile.s32 @!p0 $0x1;
	_ =	shalt  }
.Lfunc_end2:
_tile_overlayer_lowered:
.L_overlay_start_2:
0x157: {  	(tag) =	ssettag $0x2  }
0x158: {  	s0 =	rddreg [dreg:$0x0];
	s2 =	stileid.u32  }
0x159: {  	s1 =	rddreg [dreg:$0x1];
	p0 =	sne.s32 s2, $0x0  }
0x15a: {  	s3 =	rddreg [dreg:$0x2];
	[bflag:$0x3] =	sbarrier.arrive $0xFFFF;
	s2 =	simm.s32 @!p0 $0x1C03  }
0x15b: {  	[timem:s3], [sflag:s2] =	dma.local @!p0 [hbm:s0], s1  }
0x15c: {  	s0 =	simm.s32 @!p0 $0x3  }
0x15d: {  	_ =	swait.ge @!p0 [sflag:s0], s1  }
0x15e: {  	s1 =	ssub.s32 @!p0 $0x0, s1;
	[sflag:s0] =	ssyncset.done @!p0 $0x0  }
0x15f: {  	[sflag:s0] =	ssyncadd.s32 @!p0 s1  }
0x160: {  	[bflag:$0x3] =	sbarrier.arrive $0xFFFF  }
0x161: {  	_ =	shalt  }

</sc_bundles>
